<compile_context>
chip_gen: v7x
topology: tpu7x:2x2x1
jax: 0.10.2.dev20260603
libtpu: 0.0.44.dev20260713+nightly
codegen_flags: <defaults>
</compile_context>

<pallas_src>
import functools

import jax
import jax.numpy as jnp
from jax import lax
from jax.experimental import pallas as pl
from jax.experimental.pallas import tpu as pltpu
from jax.experimental.pallas import tpu_sc as plsc

BATCH = 16384
D = 32
OUT_D = 4 * D
NUM_CORES = 2
NUM_SUBCORES = 16
NUM_WORKERS = NUM_CORES * NUM_SUBCORES
BPW = BATCH // NUM_WORKERS
L = 16
GROUPS = BPW // L
OFF_GENDER = 0
OFF_AGE = 2
OFF_OCC = 9
SMALL_ROWS = 30


def _embed_body(g_hbm, a_hbm, o_hbm, z_hbm, small_hbm, wz_hbm, out_hbm,
                gi, ai, oi, zi, small_v, zbuf, big, sem):
    wid = lax.axis_index("s") * NUM_CORES + lax.axis_index("c")
    base = wid * BPW
    pltpu.sync_copy(g_hbm.at[pl.ds(base, BPW)], gi)
    pltpu.sync_copy(a_hbm.at[pl.ds(base, BPW)], ai)
    pltpu.sync_copy(o_hbm.at[pl.ds(base, BPW)], oi)
    pltpu.sync_copy(z_hbm.at[pl.ds(base, BPW)], zi)
    pltpu.sync_copy(small_hbm, small_v)
    cz = pltpu.async_copy(wz_hbm.at[zi], zbuf, sem)

    iota = lax.iota(jnp.int32, L)

    def small_group(g, carry):
        rows = g * L + iota
        for tbl, (buf, off) in enumerate(((gi, OFF_GENDER), (ai, OFF_AGE),
                                          (oi, OFF_OCC))):
            idxv = buf[pl.ds(g * L, L)]
            fb = (idxv + off) * D
            col0 = tbl * D
            for c in range(D):
                v = plsc.load_gather(small_v, [fb + c])
                plsc.store_scatter(big, [rows, iota * 0 + (col0 + c)], v)
        return carry

    lax.fori_loop(0, GROUPS, small_group, 0)

    cz.wait()

    def compact_row(r, carry):
        big[r, pl.ds(3 * D, L)] = zbuf[r, pl.ds(0, L)]
        big[r, pl.ds(3 * D + L, L)] = zbuf[r, pl.ds(L, L)]
        return carry

    lax.fori_loop(0, BPW, compact_row, 0)

    pltpu.sync_copy(big, out_hbm.at[pl.ds(base, BPW)])


def _embed(gender_idx, age_idx, occupation_idx, area_idx, small_flat, W_area):
    mesh = plsc.VectorSubcoreMesh(core_axis_name="c", subcore_axis_name="s")
    k = functools.partial(
        pl.kernel,
        mesh=mesh,
        out_type=jax.ShapeDtypeStruct((BATCH, OUT_D), jnp.float32),
        scratch_types=[
            pltpu.VMEM((BPW,), jnp.int32),
            pltpu.VMEM((BPW,), jnp.int32),
            pltpu.VMEM((BPW,), jnp.int32),
            pltpu.VMEM((BPW,), jnp.int32),
            pltpu.VMEM((SMALL_ROWS * D,), jnp.float32),
            pltpu.VMEM((BPW, D), jnp.float32),
            pltpu.VMEM((BPW, OUT_D), jnp.float32),
            pltpu.SemaphoreType.DMA,
        ],
        compiler_params=pltpu.CompilerParams(use_tc_tiling_on_sc=False,
                                             needs_layout_passes=False),
    )(_embed_body)
    return k(gender_idx, age_idx, occupation_idx, area_idx, small_flat, W_area)


_embed_jit = jax.jit(_embed)


def kernel(gender_idx, age_idx, occupation_idx, area_idx,
           W_gender, W_age, W_occupation, W_area):
    small_flat = jnp.concatenate(
        (W_gender, W_age, W_occupation), axis=0).reshape(-1)
    return _embed_jit(gender_idx.astype(jnp.int32), age_idx.astype(jnp.int32),
                      occupation_idx.astype(jnp.int32),
                      area_idx.astype(jnp.int32), small_flat, W_area)

# --- scband reference (transcript-rebuilt; emitter-appended) ---
"""Pipeline reference for scband-unbaised-user-embed-11046655885488 (READ-ONLY COPY).

The authoritative reference and input builder live on the scoring server;
editing this copy changes nothing except your own understanding.
"""

import jax, jax.numpy as jnp
import numpy as np

NUM_GENDER = 2
NUM_AGE = 7
NUM_OCCUPATION = 21
NUM_ZIPCODE = 1000000
EMBED_DIM = 32
BATCH = 16384


def setup_inputs(seed: int = 0) -> dict:
    key = jax.random.key(seed)
    k1, k2, k3, k4, k5, k6, k7, k8 = jax.random.split(key, 8)
    gender_idx = jax.random.randint(k1, (BATCH,), 0, NUM_GENDER, dtype=jnp.int64 if jax.config.jax_enable_x64 else jnp.int32)
    age_idx = jax.random.randint(k2, (BATCH,), 0, NUM_AGE, dtype=jnp.int32)
    occupation_idx = jax.random.randint(k3, (BATCH,), 0, NUM_OCCUPATION, dtype=jnp.int32)
    area_idx = jax.random.randint(k4, (BATCH,), 0, NUM_ZIPCODE, dtype=jnp.int32)
    # learned parameters (embedding tables), matching torch.nn.Embedding default init N(0,1)
    W_gender = jax.random.normal(k5, (NUM_GENDER, EMBED_DIM), dtype=jnp.float32)
    W_age = jax.random.normal(k6, (NUM_AGE, EMBED_DIM), dtype=jnp.float32)
    W_occupation = jax.random.normal(k7, (NUM_OCCUPATION, EMBED_DIM), dtype=jnp.float32)
    W_area = jax.random.normal(k8, (NUM_ZIPCODE, EMBED_DIM), dtype=jnp.float32)
    return {
        "gender_idx": gender_idx,
        "age_idx": age_idx,
        "occupation_idx": occupation_idx,
        "area_idx": area_idx,
        "W_gender": W_gender,
        "W_age": W_age,
        "W_occupation": W_occupation,
        "W_area": W_area,
    }


def reference(gender_idx, age_idx, occupation_idx, area_idx, W_gender, W_age, W_occupation, W_area):
    gender_emb = jnp.take(W_gender, gender_idx, axis=0)
    age_emb = jnp.take(W_age, age_idx, axis=0)
    occupation_emb = jnp.take(W_occupation, occupation_idx, axis=0)
    area_emb = jnp.take(W_area, area_idx, axis=0)
    return jnp.concatenate((gender_emb, age_emb, occupation_emb, area_emb), axis=1)

if __name__ == "__main__":
    import jax
    _d = setup_inputs()
    print(jax.jit(kernel)(*tuple(_d.values())))

</pallas_src>

<mosaic_0001>
#map = affine_map<(d0, d1) -> (0)>
#map1 = affine_map<(d0, d1) -> (0, 0)>
module attributes {stable_mosaic.version = 14 : i64} {
  func.func @_embed_body(%arg0: i32, %arg1: i32, %arg2: memref<16384xi32, #tpu.memory_space<hbm>>, %arg3: memref<16384xi32, #tpu.memory_space<hbm>>, %arg4: memref<16384xi32, #tpu.memory_space<hbm>>, %arg5: memref<16384xi32, #tpu.memory_space<hbm>>, %arg6: memref<960xf32, #tpu.memory_space<hbm>>, %arg7: memref<1000000x32xf32, #tpu.memory_space<hbm>>, %arg8: memref<16384x128xf32, #tpu.memory_space<hbm>>, %arg9: memref<512xi32, #tpu.memory_space<vmem>>, %arg10: memref<512xi32, #tpu.memory_space<vmem>>, %arg11: memref<512xi32, #tpu.memory_space<vmem>>, %arg12: memref<512xi32, #tpu.memory_space<vmem>>, %arg13: memref<960xf32, #tpu.memory_space<vmem>>, %arg14: memref<512x32xf32, #tpu.memory_space<vmem>>, %arg15: memref<512x128xf32, #tpu.memory_space<vmem>>, %arg16: memref<!tpu.dma_semaphore, #tpu.memory_space<semaphore_mem>>) attributes {dimension_semantics = [#tpu.dimension_semantics<core_parallel>, #tpu.dimension_semantics<subcore_parallel>], iteration_bounds = array<i64: 2, 16>, scalar_prefetch = 0 : i64, scratch_operands = 8 : i64, tpu.core_type = #tpu.core_type<sc_vector_subcore>, window_params = [{transform_indices = #map}, {transform_indices = #map}, {transform_indices = #map}, {transform_indices = #map}, {transform_indices = #map}, {transform_indices = #map1}, {transform_indices = #map1}]} {
    %mul3A = arith.constant 2 : i32
    %mul3A_0 = arith.muli %arg1, %mul3A : i32
    %add3A = arith.addi %mul3A_0, %arg0 : i32
    %mul3A_1 = arith.constant 512 : i32
    %mul3A_2 = arith.muli %add3A, %mul3A_1 : i32
    "tpu.region"() ({
      %run_scoped3A = tpu.sem_alloc : memref<!tpu.dma_semaphore, #tpu.memory_space<semaphore_mem>>
      %dma_start3A_18 = tpu.memref_slice %arg2[%mul3A_2] : memref<16384xi32, #tpu.memory_space<hbm>> -> memref<512xi32, #tpu.memory_space<hbm>>
      %dma_start3A_19 = tpu.memref_slice %arg2[%mul3A_2] : memref<16384xi32, #tpu.memory_space<hbm>> -> memref<512xi32, #tpu.memory_space<hbm>>
      tpu.enqueue_dma source(%dma_start3A_19 : memref<512xi32, #tpu.memory_space<hbm>>) target(%arg9 : memref<512xi32, #tpu.memory_space<vmem>>) target_semaphore(%run_scoped3A : memref<!tpu.dma_semaphore, #tpu.memory_space<semaphore_mem>>)
      %dma_wait3A_20 = tpu.memref_slice %arg2[%mul3A_2] : memref<16384xi32, #tpu.memory_space<hbm>> -> memref<512xi32, #tpu.memory_space<hbm>>
      %dma_wait3A_21 = tpu.memref_slice %arg2[%mul3A_2] : memref<16384xi32, #tpu.memory_space<hbm>> -> memref<512xi32, #tpu.memory_space<hbm>>
      tpu.wait_dma2 semaphore(%run_scoped3A : memref<!tpu.dma_semaphore, #tpu.memory_space<semaphore_mem>>) src(%dma_wait3A_21 : memref<512xi32, #tpu.memory_space<hbm>>) dst(%arg9 : memref<512xi32, #tpu.memory_space<vmem>>)
      tpu.yield
    }) : () -> ()
    "tpu.region"() ({
      %run_scoped3A = tpu.sem_alloc : memref<!tpu.dma_semaphore, #tpu.memory_space<semaphore_mem>>
      %dma_start3A_18 = tpu.memref_slice %arg3[%mul3A_2] : memref<16384xi32, #tpu.memory_space<hbm>> -> memref<512xi32, #tpu.memory_space<hbm>>
      %dma_start3A_19 = tpu.memref_slice %arg3[%mul3A_2] : memref<16384xi32, #tpu.memory_space<hbm>> -> memref<512xi32, #tpu.memory_space<hbm>>
      tpu.enqueue_dma source(%dma_start3A_19 : memref<512xi32, #tpu.memory_space<hbm>>) target(%arg10 : memref<512xi32, #tpu.memory_space<vmem>>) target_semaphore(%run_scoped3A : memref<!tpu.dma_semaphore, #tpu.memory_space<semaphore_mem>>)
      %dma_wait3A_20 = tpu.memref_slice %arg3[%mul3A_2] : memref<16384xi32, #tpu.memory_space<hbm>> -> memref<512xi32, #tpu.memory_space<hbm>>
      %dma_wait3A_21 = tpu.memref_slice %arg3[%mul3A_2] : memref<16384xi32, #tpu.memory_space<hbm>> -> memref<512xi32, #tpu.memory_space<hbm>>
      tpu.wait_dma2 semaphore(%run_scoped3A : memref<!tpu.dma_semaphore, #tpu.memory_space<semaphore_mem>>) src(%dma_wait3A_21 : memref<512xi32, #tpu.memory_space<hbm>>) dst(%arg10 : memref<512xi32, #tpu.memory_space<vmem>>)
      tpu.yield
    }) : () -> ()
    "tpu.region"() ({
      %run_scoped3A = tpu.sem_alloc : memref<!tpu.dma_semaphore, #tpu.memory_space<semaphore_mem>>
      %dma_start3A_18 = tpu.memref_slice %arg4[%mul3A_2] : memref<16384xi32, #tpu.memory_space<hbm>> -> memref<512xi32, #tpu.memory_space<hbm>>
      %dma_start3A_19 = tpu.memref_slice %arg4[%mul3A_2] : memref<16384xi32, #tpu.memory_space<hbm>> -> memref<512xi32, #tpu.memory_space<hbm>>
      tpu.enqueue_dma source(%dma_start3A_19 : memref<512xi32, #tpu.memory_space<hbm>>) target(%arg11 : memref<512xi32, #tpu.memory_space<vmem>>) target_semaphore(%run_scoped3A : memref<!tpu.dma_semaphore, #tpu.memory_space<semaphore_mem>>)
      %dma_wait3A_20 = tpu.memref_slice %arg4[%mul3A_2] : memref<16384xi32, #tpu.memory_space<hbm>> -> memref<512xi32, #tpu.memory_space<hbm>>
      %dma_wait3A_21 = tpu.memref_slice %arg4[%mul3A_2] : memref<16384xi32, #tpu.memory_space<hbm>> -> memref<512xi32, #tpu.memory_space<hbm>>
      tpu.wait_dma2 semaphore(%run_scoped3A : memref<!tpu.dma_semaphore, #tpu.memory_space<semaphore_mem>>) src(%dma_wait3A_21 : memref<512xi32, #tpu.memory_space<hbm>>) dst(%arg11 : memref<512xi32, #tpu.memory_space<vmem>>)
      tpu.yield
    }) : () -> ()
    "tpu.region"() ({
      %run_scoped3A = tpu.sem_alloc : memref<!tpu.dma_semaphore, #tpu.memory_space<semaphore_mem>>
      %dma_start3A_18 = tpu.memref_slice %arg5[%mul3A_2] : memref<16384xi32, #tpu.memory_space<hbm>> -> memref<512xi32, #tpu.memory_space<hbm>>
      %dma_start3A_19 = tpu.memref_slice %arg5[%mul3A_2] : memref<16384xi32, #tpu.memory_space<hbm>> -> memref<512xi32, #tpu.memory_space<hbm>>
      tpu.enqueue_dma source(%dma_start3A_19 : memref<512xi32, #tpu.memory_space<hbm>>) target(%arg12 : memref<512xi32, #tpu.memory_space<vmem>>) target_semaphore(%run_scoped3A : memref<!tpu.dma_semaphore, #tpu.memory_space<semaphore_mem>>)
      %dma_wait3A_20 = tpu.memref_slice %arg5[%mul3A_2] : memref<16384xi32, #tpu.memory_space<hbm>> -> memref<512xi32, #tpu.memory_space<hbm>>
      %dma_wait3A_21 = tpu.memref_slice %arg5[%mul3A_2] : memref<16384xi32, #tpu.memory_space<hbm>> -> memref<512xi32, #tpu.memory_space<hbm>>
      tpu.wait_dma2 semaphore(%run_scoped3A : memref<!tpu.dma_semaphore, #tpu.memory_space<semaphore_mem>>) src(%dma_wait3A_21 : memref<512xi32, #tpu.memory_space<hbm>>) dst(%arg12 : memref<512xi32, #tpu.memory_space<vmem>>)
      tpu.yield
    }) : () -> ()
    "tpu.region"() ({
      %run_scoped3A = tpu.sem_alloc : memref<!tpu.dma_semaphore, #tpu.memory_space<semaphore_mem>>
      tpu.enqueue_dma source(%arg6 : memref<960xf32, #tpu.memory_space<hbm>>) target(%arg13 : memref<960xf32, #tpu.memory_space<vmem>>) target_semaphore(%run_scoped3A : memref<!tpu.dma_semaphore, #tpu.memory_space<semaphore_mem>>)
      tpu.wait_dma2 semaphore(%run_scoped3A : memref<!tpu.dma_semaphore, #tpu.memory_space<semaphore_mem>>) src(%arg6 : memref<960xf32, #tpu.memory_space<hbm>>) dst(%arg13 : memref<960xf32, #tpu.memory_space<vmem>>)
      tpu.yield
    }) : () -> ()
    %dma_start3A = arith.constant 0 : i32
    %dma_start3A_3 = arith.constant 0 : i32
    %dma_start3A_4 = tpu.memref_slice %arg7[%dma_start3A, %dma_start3A_3] : memref<1000000x32xf32, #tpu.memory_space<hbm>> -> memref<1000000x32xf32, #tpu.memory_space<hbm>>
    tpu.enqueue_indirect_dma source(%dma_start3A_4 : memref<1000000x32xf32, #tpu.memory_space<hbm>>) target(%arg14 : memref<512x32xf32, #tpu.memory_space<vmem>>) offsets(%arg12 : memref<512xi32, #tpu.memory_space<vmem>>) semaphore(%arg16 : memref<!tpu.dma_semaphore, #tpu.memory_space<semaphore_mem>>)
    %iota3A = tpu.iota {dimensions = array<i32: 0>} : vector<16xi32>
    %scan3A = arith.constant 0 : i32
    %scan3A_5 = arith.constant 0 : i32
    %scan3A_6 = arith.constant 32 : i32
    %scan3A_7 = arith.addi %scan3A_5, %scan3A_6 : i32
    %scan3A_8 = arith.constant 1 : i32
    scf.for %scan3A_18 = %scan3A_5 to %scan3A_7 step %scan3A_8  : i32 {
      %mul3A_19 = arith.constant 16 : i32
      %mul3A_20 = arith.muli %scan3A_18, %mul3A_19 : i32
      %add3A_21 = vector.broadcast %mul3A_20 : i32 to vector<16xi32>
      %add3A_22 = arith.addi %add3A_21, %iota3A : vector<16xi32>
      %mul3A_23 = arith.constant 16 : i32
      %mul3A_24 = arith.muli %scan3A_18, %mul3A_23 : i32
      %get3A = arith.index_cast %mul3A_24 : i32 to index
      %get3A_25 = tpu.vector_load %arg9[%get3A] {strides = array<i32>} : memref<512xi32, #tpu.memory_space<vmem>>, vector<16xi32>,
      %add3A_26 = arith.constant 0 : i32
      %add3A_27 = vector.broadcast %add3A_26 : i32 to vector<16xi32>
      %add3A_28 = arith.addi %get3A_25, %add3A_27 : vector<16xi32>
      %mul3A_29 = arith.constant 32 : i32
      %mul3A_30 = vector.broadcast %mul3A_29 : i32 to vector<16xi32>
      %mul3A_31 = arith.muli %add3A_28, %mul3A_30 : vector<16xi32>
      %add3A_32 = arith.constant 0 : i32
      %add3A_33 = vector.broadcast %add3A_32 : i32 to vector<16xi32>
      %add3A_34 = arith.addi %mul3A_31, %add3A_33 : vector<16xi32>
      %gather3A = tpu.vector_load_idx %arg13[%add3A_34] : memref<960xf32, #tpu.memory_space<vmem>>[vector<16xi32>], vector<16xf32>,
      %mul3A_35 = arith.constant 0 : i32
      %mul3A_36 = vector.broadcast %mul3A_35 : i32 to vector<16xi32>
      %mul3A_37 = arith.muli %iota3A, %mul3A_36 : vector<16xi32>
      %add3A_38 = arith.constant 0 : i32
      %add3A_39 = vector.broadcast %add3A_38 : i32 to vector<16xi32>
      %add3A_40 = arith.addi %mul3A_37, %add3A_39 : vector<16xi32>
      tpu.vector_store_idx %arg15[%add3A_22, %add3A_40], %gather3A : memref<512x128xf32, #tpu.memory_space<vmem>>[vector<16xi32>, vector<16xi32>], vector<16xf32>,
      %add3A_41 = arith.constant 1 : i32
      %add3A_42 = vector.broadcast %add3A_41 : i32 to vector<16xi32>
      %add3A_43 = arith.addi %mul3A_31, %add3A_42 : vector<16xi32>
      %gather3A_44 = tpu.vector_load_idx %arg13[%add3A_43] : memref<960xf32, #tpu.memory_space<vmem>>[vector<16xi32>], vector<16xf32>,
      %mul3A_45 = arith.constant 0 : i32
      %mul3A_46 = vector.broadcast %mul3A_45 : i32 to vector<16xi32>
      %mul3A_47 = arith.muli %iota3A, %mul3A_46 : vector<16xi32>
      %add3A_48 = arith.constant 1 : i32
      %add3A_49 = vector.broadcast %add3A_48 : i32 to vector<16xi32>
      %add3A_50 = arith.addi %mul3A_47, %add3A_49 : vector<16xi32>
      tpu.vector_store_idx %arg15[%add3A_22, %add3A_50], %gather3A_44 : memref<512x128xf32, #tpu.memory_space<vmem>>[vector<16xi32>, vector<16xi32>], vector<16xf32>,
      %add3A_51 = arith.constant 2 : i32
      %add3A_52 = vector.broadcast %add3A_51 : i32 to vector<16xi32>
      %add3A_53 = arith.addi %mul3A_31, %add3A_52 : vector<16xi32>
      %gather3A_54 = tpu.vector_load_idx %arg13[%add3A_53] : memref<960xf32, #tpu.memory_space<vmem>>[vector<16xi32>], vector<16xf32>,
      %mul3A_55 = arith.constant 0 : i32
      %mul3A_56 = vector.broadcast %mul3A_55 : i32 to vector<16xi32>
      %mul3A_57 = arith.muli %iota3A, %mul3A_56 : vector<16xi32>
      %add3A_58 = arith.constant 2 : i32
      %add3A_59 = vector.broadcast %add3A_58 : i32 to vector<16xi32>
      %add3A_60 = arith.addi %mul3A_57, %add3A_59 : vector<16xi32>
      tpu.vector_store_idx %arg15[%add3A_22, %add3A_60], %gather3A_54 : memref<512x128xf32, #tpu.memory_space<vmem>>[vector<16xi32>, vector<16xi32>], vector<16xf32>,
      %add3A_61 = arith.constant 3 : i32
      %add3A_62 = vector.broadcast %add3A_61 : i32 to vector<16xi32>
      %add3A_63 = arith.addi %mul3A_31, %add3A_62 : vector<16xi32>
      %gather3A_64 = tpu.vector_load_idx %arg13[%add3A_63] : memref<960xf32, #tpu.memory_space<vmem>>[vector<16xi32>], vector<16xf32>,
      %mul3A_65 = arith.constant 0 : i32
      %mul3A_66 = vector.broadcast %mul3A_65 : i32 to vector<16xi32>
      %mul3A_67 = arith.muli %iota3A, %mul3A_66 : vector<16xi32>
      %add3A_68 = arith.constant 3 : i32
      %add3A_69 = vector.broadcast %add3A_68 : i32 to vector<16xi32>
      %add3A_70 = arith.addi %mul3A_67, %add3A_69 : vector<16xi32>
      tpu.vector_store_idx %arg15[%add3A_22, %add3A_70], %gather3A_64 : memref<512x128xf32, #tpu.memory_space<vmem>>[vector<16xi32>, vector<16xi32>], vector<16xf32>,
      %add3A_71 = arith.constant 4 : i32
      %add3A_72 = vector.broadcast %add3A_71 : i32 to vector<16xi32>
      %add3A_73 = arith.addi %mul3A_31, %add3A_72 : vector<16xi32>
      %gather3A_74 = tpu.vector_load_idx %arg13[%add3A_73] : memref<960xf32, #tpu.memory_space<vmem>>[vector<16xi32>], vector<16xf32>,
      %mul3A_75 = arith.constant 0 : i32
      %mul3A_76 = vector.broadcast %mul3A_75 : i32 to vector<16xi32>
      %mul3A_77 = arith.muli %iota3A, %mul3A_76 : vector<16xi32>
      %add3A_78 = arith.constant 4 : i32
      %add3A_79 = vector.broadcast %add3A_78 : i32 to vector<16xi32>
      %add3A_80 = arith.addi %mul3A_77, %add3A_79 : vector<16xi32>
      tpu.vector_store_idx %arg15[%add3A_22, %add3A_80], %gather3A_74 : memref<512x128xf32, #tpu.memory_space<vmem>>[vector<16xi32>, vector<16xi32>], vector<16xf32>,
      %add3A_81 = arith.constant 5 : i32
      %add3A_82 = vector.broadcast %add3A_81 : i32 to vector<16xi32>
      %add3A_83 = arith.addi %mul3A_31, %add3A_82 : vector<16xi32>
      %gather3A_84 = tpu.vector_load_idx %arg13[%add3A_83] : memref<960xf32, #tpu.memory_space<vmem>>[vector<16xi32>], vector<16xf32>,
      %mul3A_85 = arith.constant 0 : i32
      %mul3A_86 = vector.broadcast %mul3A_85 : i32 to vector<16xi32>
      %mul3A_87 = arith.muli %iota3A, %mul3A_86 : vector<16xi32>
      %add3A_88 = arith.constant 5 : i32
      %add3A_89 = vector.broadcast %add3A_88 : i32 to vector<16xi32>
      %add3A_90 = arith.addi %mul3A_87, %add3A_89 : vector<16xi32>
      tpu.vector_store_idx %arg15[%add3A_22, %add3A_90], %gather3A_84 : memref<512x128xf32, #tpu.memory_space<vmem>>[vector<16xi32>, vector<16xi32>], vector<16xf32>,
      %add3A_91 = arith.constant 6 : i32
      %add3A_92 = vector.broadcast %add3A_91 : i32 to vector<16xi32>
      %add3A_93 = arith.addi %mul3A_31, %add3A_92 : vector<16xi32>
      %gather3A_94 = tpu.vector_load_idx %arg13[%add3A_93] : memref<960xf32, #tpu.memory_space<vmem>>[vector<16xi32>], vector<16xf32>,
      %mul3A_95 = arith.constant 0 : i32
      %mul3A_96 = vector.broadcast %mul3A_95 : i32 to vector<16xi32>
      %mul3A_97 = arith.muli %iota3A, %mul3A_96 : vector<16xi32>
      %add3A_98 = arith.constant 6 : i32
      %add3A_99 = vector.broadcast %add3A_98 : i32 to vector<16xi32>
      %add3A_100 = arith.addi %mul3A_97, %add3A_99 : vector<16xi32>
      tpu.vector_store_idx %arg15[%add3A_22, %add3A_100], %gather3A_94 : memref<512x128xf32, #tpu.memory_space<vmem>>[vector<16xi32>, vector<16xi32>], vector<16xf32>,
      %add3A_101 = arith.constant 7 : i32
      %add3A_102 = vector.broadcast %add3A_101 : i32 to vector<16xi32>
      %add3A_103 = arith.addi %mul3A_31, %add3A_102 : vector<16xi32>
      %gather3A_104 = tpu.vector_load_idx %arg13[%add3A_103] : memref<960xf32, #tpu.memory_space<vmem>>[vector<16xi32>], vector<16xf32>,
      %mul3A_105 = arith.constant 0 : i32
      %mul3A_106 = vector.broadcast %mul3A_105 : i32 to vector<16xi32>
      %mul3A_107 = arith.muli %iota3A, %mul3A_106 : vector<16xi32>
      %add3A_108 = arith.constant 7 : i32
      %add3A_109 = vector.broadcast %add3A_108 : i32 to vector<16xi32>
      %add3A_110 = arith.addi %mul3A_107, %add3A_109 : vector<16xi32>
      tpu.vector_store_idx %arg15[%add3A_22, %add3A_110], %gather3A_104 : memref<512x128xf32, #tpu.memory_space<vmem>>[vector<16xi32>, vector<16xi32>], vector<16xf32>,
      %add3A_111 = arith.constant 8 : i32
      %add3A_112 = vector.broadcast %add3A_111 : i32 to vector<16xi32>
      %add3A_113 = arith.addi %mul3A_31, %add3A_112 : vector<16xi32>
      %gather3A_114 = tpu.vector_load_idx %arg13[%add3A_113] : memref<960xf32, #tpu.memory_space<vmem>>[vector<16xi32>], vector<16xf32>,
      %mul3A_115 = arith.constant 0 : i32
      %mul3A_116 = vector.broadcast %mul3A_115 : i32 to vector<16xi32>
      %mul3A_117 = arith.muli %iota3A, %mul3A_116 : vector<16xi32>
      %add3A_118 = arith.constant 8 : i32
      %add3A_119 = vector.broadcast %add3A_118 : i32 to vector<16xi32>
      %add3A_120 = arith.addi %mul3A_117, %add3A_119 : vector<16xi32>
      tpu.vector_store_idx %arg15[%add3A_22, %add3A_120], %gather3A_114 : memref<512x128xf32, #tpu.memory_space<vmem>>[vector<16xi32>, vector<16xi32>], vector<16xf32>,
      %add3A_121 = arith.constant 9 : i32
      %add3A_122 = vector.broadcast %add3A_121 : i32 to vector<16xi32>
      %add3A_123 = arith.addi %mul3A_31, %add3A_122 : vector<16xi32>
      %gather3A_124 = tpu.vector_load_idx %arg13[%add3A_123] : memref<960xf32, #tpu.memory_space<vmem>>[vector<16xi32>], vector<16xf32>,
      %mul3A_125 = arith.constant 0 : i32
      %mul3A_126 = vector.broadcast %mul3A_125 : i32 to vector<16xi32>
      %mul3A_127 = arith.muli %iota3A, %mul3A_126 : vector<16xi32>
      %add3A_128 = arith.constant 9 : i32
      %add3A_129 = vector.broadcast %add3A_128 : i32 to vector<16xi32>
      %add3A_130 = arith.addi %mul3A_127, %add3A_129 : vector<16xi32>
      tpu.vector_store_idx %arg15[%add3A_22, %add3A_130], %gather3A_124 : memref<512x128xf32, #tpu.memory_space<vmem>>[vector<16xi32>, vector<16xi32>], vector<16xf32>,
      %add3A_131 = arith.constant 10 : i32
      %add3A_132 = vector.broadcast %add3A_131 : i32 to vector<16xi32>
      %add3A_133 = arith.addi %mul3A_31, %add3A_132 : vector<16xi32>
      %gather3A_134 = tpu.vector_load_idx %arg13[%add3A_133] : memref<960xf32, #tpu.memory_space<vmem>>[vector<16xi32>], vector<16xf32>,
      %mul3A_135 = arith.constant 0 : i32
      %mul3A_136 = vector.broadcast %mul3A_135 : i32 to vector<16xi32>
      %mul3A_137 = arith.muli %iota3A, %mul3A_136 : vector<16xi32>
      %add3A_138 = arith.constant 10 : i32
      %add3A_139 = vector.broadcast %add3A_138 : i32 to vector<16xi32>
      %add3A_140 = arith.addi %mul3A_137, %add3A_139 : vector<16xi32>
      tpu.vector_store_idx %arg15[%add3A_22, %add3A_140], %gather3A_134 : memref<512x128xf32, #tpu.memory_space<vmem>>[vector<16xi32>, vector<16xi32>], vector<16xf32>,
      %add3A_141 = arith.constant 11 : i32
      %add3A_142 = vector.broadcast %add3A_141 : i32 to vector<16xi32>
      %add3A_143 = arith.addi %mul3A_31, %add3A_142 : vector<16xi32>
      %gather3A_144 = tpu.vector_load_idx %arg13[%add3A_143] : memref<960xf32, #tpu.memory_space<vmem>>[vector<16xi32>], vector<16xf32>,
      %mul3A_145 = arith.constant 0 : i32
      %mul3A_146 = vector.broadcast %mul3A_145 : i32 to vector<16xi32>
      %mul3A_147 = arith.muli %iota3A, %mul3A_146 : vector<16xi32>
      %add3A_148 = arith.constant 11 : i32
      %add3A_149 = vector.broadcast %add3A_148 : i32 to vector<16xi32>
      %add3A_150 = arith.addi %mul3A_147, %add3A_149 : vector<16xi32>
      tpu.vector_store_idx %arg15[%add3A_22, %add3A_150], %gather3A_144 : memref<512x128xf32, #tpu.memory_space<vmem>>[vector<16xi32>, vector<16xi32>], vector<16xf32>,
      %add3A_151 = arith.constant 12 : i32
      %add3A_152 = vector.broadcast %add3A_151 : i32 to vector<16xi32>
      %add3A_153 = arith.addi %mul3A_31, %add3A_152 : vector<16xi32>
      %gather3A_154 = tpu.vector_load_idx %arg13[%add3A_153] : memref<960xf32, #tpu.memory_space<vmem>>[vector<16xi32>], vector<16xf32>,
      %mul3A_155 = arith.constant 0 : i32
      %mul3A_156 = vector.broadcast %mul3A_155 : i32 to vector<16xi32>
      %mul3A_157 = arith.muli %iota3A, %mul3A_156 : vector<16xi32>
      %add3A_158 = arith.constant 12 : i32
      %add3A_159 = vector.broadcast %add3A_158 : i32 to vector<16xi32>
      %add3A_160 = arith.addi %mul3A_157, %add3A_159 : vector<16xi32>
      tpu.vector_store_idx %arg15[%add3A_22, %add3A_160], %gather3A_154 : memref<512x128xf32, #tpu.memory_space<vmem>>[vector<16xi32>, vector<16xi32>], vector<16xf32>,
      %add3A_161 = arith.constant 13 : i32
      %add3A_162 = vector.broadcast %add3A_161 : i32 to vector<16xi32>
      %add3A_163 = arith.addi %mul3A_31, %add3A_162 : vector<16xi32>
      %gather3A_164 = tpu.vector_load_idx %arg13[%add3A_163] : memref<960xf32, #tpu.memory_space<vmem>>[vector<16xi32>], vector<16xf32>,
      %mul3A_165 = arith.constant 0 : i32
      %mul3A_166 = vector.broadcast %mul3A_165 : i32 to vector<16xi32>
      %mul3A_167 = arith.muli %iota3A, %mul3A_166 : vector<16xi32>
      %add3A_168 = arith.constant 13 : i32
      %add3A_169 = vector.broadcast %add3A_168 : i32 to vector<16xi32>
      %add3A_170 = arith.addi %mul3A_167, %add3A_169 : vector<16xi32>
      tpu.vector_store_idx %arg15[%add3A_22, %add3A_170], %gather3A_164 : memref<512x128xf32, #tpu.memory_space<vmem>>[vector<16xi32>, vector<16xi32>], vector<16xf32>,
      %add3A_171 = arith.constant 14 : i32
      %add3A_172 = vector.broadcast %add3A_171 : i32 to vector<16xi32>
      %add3A_173 = arith.addi %mul3A_31, %add3A_172 : vector<16xi32>
      %gather3A_174 = tpu.vector_load_idx %arg13[%add3A_173] : memref<960xf32, #tpu.memory_space<vmem>>[vector<16xi32>], vector<16xf32>,
      %mul3A_175 = arith.constant 0 : i32
      %mul3A_176 = vector.broadcast %mul3A_175 : i32 to vector<16xi32>
      %mul3A_177 = arith.muli %iota3A, %mul3A_176 : vector<16xi32>
      %add3A_178 = arith.constant 14 : i32
      %add3A_179 = vector.broadcast %add3A_178 : i32 to vector<16xi32>
      %add3A_180 = arith.addi %mul3A_177, %add3A_179 : vector<16xi32>
      tpu.vector_store_idx %arg15[%add3A_22, %add3A_180], %gather3A_174 : memref<512x128xf32, #tpu.memory_space<vmem>>[vector<16xi32>, vector<16xi32>], vector<16xf32>,
      %add3A_181 = arith.constant 15 : i32
      %add3A_182 = vector.broadcast %add3A_181 : i32 to vector<16xi32>
      %add3A_183 = arith.addi %mul3A_31, %add3A_182 : vector<16xi32>
      %gather3A_184 = tpu.vector_load_idx %arg13[%add3A_183] : memref<960xf32, #tpu.memory_space<vmem>>[vector<16xi32>], vector<16xf32>,
      %mul3A_185 = arith.constant 0 : i32
      %mul3A_186 = vector.broadcast %mul3A_185 : i32 to vector<16xi32>
      %mul3A_187 = arith.muli %iota3A, %mul3A_186 : vector<16xi32>
      %add3A_188 = arith.constant 15 : i32
      %add3A_189 = vector.broadcast %add3A_188 : i32 to vector<16xi32>
      %add3A_190 = arith.addi %mul3A_187, %add3A_189 : vector<16xi32>
      tpu.vector_store_idx %arg15[%add3A_22, %add3A_190], %gather3A_184 : memref<512x128xf32, #tpu.memory_space<vmem>>[vector<16xi32>, vector<16xi32>], vector<16xf32>,
      %add3A_191 = arith.constant 16 : i32
      %add3A_192 = vector.broadcast %add3A_191 : i32 to vector<16xi32>
      %add3A_193 = arith.addi %mul3A_31, %add3A_192 : vector<16xi32>
      %gather3A_194 = tpu.vector_load_idx %arg13[%add3A_193] : memref<960xf32, #tpu.memory_space<vmem>>[vector<16xi32>], vector<16xf32>,
      %mul3A_195 = arith.constant 0 : i32
      %mul3A_196 = vector.broadcast %mul3A_195 : i32 to vector<16xi32>
      %mul3A_197 = arith.muli %iota3A, %mul3A_196 : vector<16xi32>
      %add3A_198 = arith.constant 16 : i32
      %add3A_199 = vector.broadcast %add3A_198 : i32 to vector<16xi32>
      %add3A_200 = arith.addi %mul3A_197, %add3A_199 : vector<16xi32>
      tpu.vector_store_idx %arg15[%add3A_22, %add3A_200], %gather3A_194 : memref<512x128xf32, #tpu.memory_space<vmem>>[vector<16xi32>, vector<16xi32>], vector<16xf32>,
      %add3A_201 = arith.constant 17 : i32
      %add3A_202 = vector.broadcast %add3A_201 : i32 to vector<16xi32>
      %add3A_203 = arith.addi %mul3A_31, %add3A_202 : vector<16xi32>
      %gather3A_204 = tpu.vector_load_idx %arg13[%add3A_203] : memref<960xf32, #tpu.memory_space<vmem>>[vector<16xi32>], vector<16xf32>,
      %mul3A_205 = arith.constant 0 : i32
      %mul3A_206 = vector.broadcast %mul3A_205 : i32 to vector<16xi32>
      %mul3A_207 = arith.muli %iota3A, %mul3A_206 : vector<16xi32>
      %add3A_208 = arith.constant 17 : i32
      %add3A_209 = vector.broadcast %add3A_208 : i32 to vector<16xi32>
      %add3A_210 = arith.addi %mul3A_207, %add3A_209 : vector<16xi32>
      tpu.vector_store_idx %arg15[%add3A_22, %add3A_210], %gather3A_204 : memref<512x128xf32, #tpu.memory_space<vmem>>[vector<16xi32>, vector<16xi32>], vector<16xf32>,
      %add3A_211 = arith.constant 18 : i32
      %add3A_212 = vector.broadcast %add3A_211 : i32 to vector<16xi32>
      %add3A_213 = arith.addi %mul3A_31, %add3A_212 : vector<16xi32>
      %gather3A_214 = tpu.vector_load_idx %arg13[%add3A_213] : memref<960xf32, #tpu.memory_space<vmem>>[vector<16xi32>], vector<16xf32>,
      %mul3A_215 = arith.constant 0 : i32
      %mul3A_216 = vector.broadcast %mul3A_215 : i32 to vector<16xi32>
      %mul3A_217 = arith.muli %iota3A, %mul3A_216 : vector<16xi32>
      %add3A_218 = arith.constant 18 : i32
      %add3A_219 = vector.broadcast %add3A_218 : i32 to vector<16xi32>
      %add3A_220 = arith.addi %mul3A_217, %add3A_219 : vector<16xi32>
      tpu.vector_store_idx %arg15[%add3A_22, %add3A_220], %gather3A_214 : memref<512x128xf32, #tpu.memory_space<vmem>>[vector<16xi32>, vector<16xi32>], vector<16xf32>,
      %add3A_221 = arith.constant 19 : i32
      %add3A_222 = vector.broadcast %add3A_221 : i32 to vector<16xi32>
      %add3A_223 = arith.addi %mul3A_31, %add3A_222 : vector<16xi32>
      %gather3A_224 = tpu.vector_load_idx %arg13[%add3A_223] : memref<960xf32, #tpu.memory_space<vmem>>[vector<16xi32>], vector<16xf32>,
      %mul3A_225 = arith.constant 0 : i32
      %mul3A_226 = vector.broadcast %mul3A_225 : i32 to vector<16xi32>
      %mul3A_227 = arith.muli %iota3A, %mul3A_226 : vector<16xi32>
      %add3A_228 = arith.constant 19 : i32
      %add3A_229 = vector.broadcast %add3A_228 : i32 to vector<16xi32>
      %add3A_230 = arith.addi %mul3A_227, %add3A_229 : vector<16xi32>
      tpu.vector_store_idx %arg15[%add3A_22, %add3A_230], %gather3A_224 : memref<512x128xf32, #tpu.memory_space<vmem>>[vector<16xi32>, vector<16xi32>], vector<16xf32>,
      %add3A_231 = arith.constant 20 : i32
      %add3A_232 = vector.broadcast %add3A_231 : i32 to vector<16xi32>
      %add3A_233 = arith.addi %mul3A_31, %add3A_232 : vector<16xi32>
      %gather3A_234 = tpu.vector_load_idx %arg13[%add3A_233] : memref<960xf32, #tpu.memory_space<vmem>>[vector<16xi32>], vector<16xf32>,
      %mul3A_235 = arith.constant 0 : i32
      %mul3A_236 = vector.broadcast %mul3A_235 : i32 to vector<16xi32>
      %mul3A_237 = arith.muli %iota3A, %mul3A_236 : vector<16xi32>
      %add3A_238 = arith.constant 20 : i32
      %add3A_239 = vector.broadcast %add3A_238 : i32 to vector<16xi32>
      %add3A_240 = arith.addi %mul3A_237, %add3A_239 : vector<16xi32>
      tpu.vector_store_idx %arg15[%add3A_22, %add3A_240], %gather3A_234 : memref<512x128xf32, #tpu.memory_space<vmem>>[vector<16xi32>, vector<16xi32>], vector<16xf32>,
      %add3A_241 = arith.constant 21 : i32
      %add3A_242 = vector.broadcast %add3A_241 : i32 to vector<16xi32>
      %add3A_243 = arith.addi %mul3A_31, %add3A_242 : vector<16xi32>
      %gather3A_244 = tpu.vector_load_idx %arg13[%add3A_243] : memref<960xf32, #tpu.memory_space<vmem>>[vector<16xi32>], vector<16xf32>,
      %mul3A_245 = arith.constant 0 : i32
      %mul3A_246 = vector.broadcast %mul3A_245 : i32 to vector<16xi32>
      %mul3A_247 = arith.muli %iota3A, %mul3A_246 : vector<16xi32>
      %add3A_248 = arith.constant 21 : i32
      %add3A_249 = vector.broadcast %add3A_248 : i32 to vector<16xi32>
      %add3A_250 = arith.addi %mul3A_247, %add3A_249 : vector<16xi32>
      tpu.vector_store_idx %arg15[%add3A_22, %add3A_250], %gather3A_244 : memref<512x128xf32, #tpu.memory_space<vmem>>[vector<16xi32>, vector<16xi32>], vector<16xf32>,
      %add3A_251 = arith.constant 22 : i32
      %add3A_252 = vector.broadcast %add3A_251 : i32 to vector<16xi32>
      %add3A_253 = arith.addi %mul3A_31, %add3A_252 : vector<16xi32>
      %gather3A_254 = tpu.vector_load_idx %arg13[%add3A_253] : memref<960xf32, #tpu.memory_space<vmem>>[vector<16xi32>], vector<16xf32>,
      %mul3A_255 = arith.constant 0 : i32
      %mul3A_256 = vector.broadcast %mul3A_255 : i32 to vector<16xi32>
      %mul3A_257 = arith.muli %iota3A, %mul3A_256 : vector<16xi32>
      %add3A_258 = arith.constant 22 : i32
      %add3A_259 = vector.broadcast %add3A_258 : i32 to vector<16xi32>
      %add3A_260 = arith.addi %mul3A_257, %add3A_259 : vector<16xi32>
      tpu.vector_store_idx %arg15[%add3A_22, %add3A_260], %gather3A_254 : memref<512x128xf32, #tpu.memory_space<vmem>>[vector<16xi32>, vector<16xi32>], vector<16xf32>,
      %add3A_261 = arith.constant 23 : i32
      %add3A_262 = vector.broadcast %add3A_261 : i32 to vector<16xi32>
      %add3A_263 = arith.addi %mul3A_31, %add3A_262 : vector<16xi32>
      %gather3A_264 = tpu.vector_load_idx %arg13[%add3A_263] : memref<960xf32, #tpu.memory_space<vmem>>[vector<16xi32>], vector<16xf32>,
      %mul3A_265 = arith.constant 0 : i32
      %mul3A_266 = vector.broadcast %mul3A_265 : i32 to vector<16xi32>
      %mul3A_267 = arith.muli %iota3A, %mul3A_266 : vector<16xi32>
      %add3A_268 = arith.constant 23 : i32
      %add3A_269 = vector.broadcast %add3A_268 : i32 to vector<16xi32>
      %add3A_270 = arith.addi %mul3A_267, %add3A_269 : vector<16xi32>
      tpu.vector_store_idx %arg15[%add3A_22, %add3A_270], %gather3A_264 : memref<512x128xf32, #tpu.memory_space<vmem>>[vector<16xi32>, vector<16xi32>], vector<16xf32>,
      %add3A_271 = arith.constant 24 : i32
      %add3A_272 = vector.broadcast %add3A_271 : i32 to vector<16xi32>
      %add3A_273 = arith.addi %mul3A_31, %add3A_272 : vector<16xi32>
      %gather3A_274 = tpu.vector_load_idx %arg13[%add3A_273] : memref<960xf32, #tpu.memory_space<vmem>>[vector<16xi32>], vector<16xf32>,
      %mul3A_275 = arith.constant 0 : i32
      %mul3A_276 = vector.broadcast %mul3A_275 : i32 to vector<16xi32>
      %mul3A_277 = arith.muli %iota3A, %mul3A_276 : vector<16xi32>
      %add3A_278 = arith.constant 24 : i32
      %add3A_279 = vector.broadcast %add3A_278 : i32 to vector<16xi32>
      %add3A_280 = arith.addi %mul3A_277, %add3A_279 : vector<16xi32>
      tpu.vector_store_idx %arg15[%add3A_22, %add3A_280], %gather3A_274 : memref<512x128xf32, #tpu.memory_space<vmem>>[vector<16xi32>, vector<16xi32>], vector<16xf32>,
      %add3A_281 = arith.constant 25 : i32
      %add3A_282 = vector.broadcast %add3A_281 : i32 to vector<16xi32>
      %add3A_283 = arith.addi %mul3A_31, %add3A_282 : vector<16xi32>
      %gather3A_284 = tpu.vector_load_idx %arg13[%add3A_283] : memref<960xf32, #tpu.memory_space<vmem>>[vector<16xi32>], vector<16xf32>,
      %mul3A_285 = arith.constant 0 : i32
      %mul3A_286 = vector.broadcast %mul3A_285 : i32 to vector<16xi32>
      %mul3A_287 = arith.muli %iota3A, %mul3A_286 : vector<16xi32>
      %add3A_288 = arith.constant 25 : i32
      %add3A_289 = vector.broadcast %add3A_288 : i32 to vector<16xi32>
      %add3A_290 = arith.addi %mul3A_287, %add3A_289 : vector<16xi32>
      tpu.vector_store_idx %arg15[%add3A_22, %add3A_290], %gather3A_284 : memref<512x128xf32, #tpu.memory_space<vmem>>[vector<16xi32>, vector<16xi32>], vector<16xf32>,
      %add3A_291 = arith.constant 26 : i32
      %add3A_292 = vector.broadcast %add3A_291 : i32 to vector<16xi32>
      %add3A_293 = arith.addi %mul3A_31, %add3A_292 : vector<16xi32>
      %gather3A_294 = tpu.vector_load_idx %arg13[%add3A_293] : memref<960xf32, #tpu.memory_space<vmem>>[vector<16xi32>], vector<16xf32>,
      %mul3A_295 = arith.constant 0 : i32
      %mul3A_296 = vector.broadcast %mul3A_295 : i32 to vector<16xi32>
      %mul3A_297 = arith.muli %iota3A, %mul3A_296 : vector<16xi32>
      %add3A_298 = arith.constant 26 : i32
      %add3A_299 = vector.broadcast %add3A_298 : i32 to vector<16xi32>
      %add3A_300 = arith.addi %mul3A_297, %add3A_299 : vector<16xi32>
      tpu.vector_store_idx %arg15[%add3A_22, %add3A_300], %gather3A_294 : memref<512x128xf32, #tpu.memory_space<vmem>>[vector<16xi32>, vector<16xi32>], vector<16xf32>,
      %add3A_301 = arith.constant 27 : i32
      %add3A_302 = vector.broadcast %add3A_301 : i32 to vector<16xi32>
      %add3A_303 = arith.addi %mul3A_31, %add3A_302 : vector<16xi32>
      %gather3A_304 = tpu.vector_load_idx %arg13[%add3A_303] : memref<960xf32, #tpu.memory_space<vmem>>[vector<16xi32>], vector<16xf32>,
      %mul3A_305 = arith.constant 0 : i32
      %mul3A_306 = vector.broadcast %mul3A_305 : i32 to vector<16xi32>
      %mul3A_307 = arith.muli %iota3A, %mul3A_306 : vector<16xi32>
      %add3A_308 = arith.constant 27 : i32
      %add3A_309 = vector.broadcast %add3A_308 : i32 to vector<16xi32>
      %add3A_310 = arith.addi %mul3A_307, %add3A_309 : vector<16xi32>
      tpu.vector_store_idx %arg15[%add3A_22, %add3A_310], %gather3A_304 : memref<512x128xf32, #tpu.memory_space<vmem>>[vector<16xi32>, vector<16xi32>], vector<16xf32>,
      %add3A_311 = arith.constant 28 : i32
      %add3A_312 = vector.broadcast %add3A_311 : i32 to vector<16xi32>
      %add3A_313 = arith.addi %mul3A_31, %add3A_312 : vector<16xi32>
      %gather3A_314 = tpu.vector_load_idx %arg13[%add3A_313] : memref<960xf32, #tpu.memory_space<vmem>>[vector<16xi32>], vector<16xf32>,
      %mul3A_315 = arith.constant 0 : i32
      %mul3A_316 = vector.broadcast %mul3A_315 : i32 to vector<16xi32>
      %mul3A_317 = arith.muli %iota3A, %mul3A_316 : vector<16xi32>
      %add3A_318 = arith.constant 28 : i32
      %add3A_319 = vector.broadcast %add3A_318 : i32 to vector<16xi32>
      %add3A_320 = arith.addi %mul3A_317, %add3A_319 : vector<16xi32>
      tpu.vector_store_idx %arg15[%add3A_22, %add3A_320], %gather3A_314 : memref<512x128xf32, #tpu.memory_space<vmem>>[vector<16xi32>, vector<16xi32>], vector<16xf32>,
      %add3A_321 = arith.constant 29 : i32
      %add3A_322 = vector.broadcast %add3A_321 : i32 to vector<16xi32>
      %add3A_323 = arith.addi %mul3A_31, %add3A_322 : vector<16xi32>
      %gather3A_324 = tpu.vector_load_idx %arg13[%add3A_323] : memref<960xf32, #tpu.memory_space<vmem>>[vector<16xi32>], vector<16xf32>,
      %mul3A_325 = arith.constant 0 : i32
      %mul3A_326 = vector.broadcast %mul3A_325 : i32 to vector<16xi32>
      %mul3A_327 = arith.muli %iota3A, %mul3A_326 : vector<16xi32>
      %add3A_328 = arith.constant 29 : i32
      %add3A_329 = vector.broadcast %add3A_328 : i32 to vector<16xi32>
      %add3A_330 = arith.addi %mul3A_327, %add3A_329 : vector<16xi32>
      tpu.vector_store_idx %arg15[%add3A_22, %add3A_330], %gather3A_324 : memref<512x128xf32, #tpu.memory_space<vmem>>[vector<16xi32>, vector<16xi32>], vector<16xf32>,
      %add3A_331 = arith.constant 30 : i32
      %add3A_332 = vector.broadcast %add3A_331 : i32 to vector<16xi32>
      %add3A_333 = arith.addi %mul3A_31, %add3A_332 : vector<16xi32>
      %gather3A_334 = tpu.vector_load_idx %arg13[%add3A_333] : memref<960xf32, #tpu.memory_space<vmem>>[vector<16xi32>], vector<16xf32>,
      %mul3A_335 = arith.constant 0 : i32
      %mul3A_336 = vector.broadcast %mul3A_335 : i32 to vector<16xi32>
      %mul3A_337 = arith.muli %iota3A, %mul3A_336 : vector<16xi32>
      %add3A_338 = arith.constant 30 : i32
      %add3A_339 = vector.broadcast %add3A_338 : i32 to vector<16xi32>
      %add3A_340 = arith.addi %mul3A_337, %add3A_339 : vector<16xi32>
      tpu.vector_store_idx %arg15[%add3A_22, %add3A_340], %gather3A_334 : memref<512x128xf32, #tpu.memory_space<vmem>>[vector<16xi32>, vector<16xi32>], vector<16xf32>,
      %add3A_341 = arith.constant 31 : i32
      %add3A_342 = vector.broadcast %add3A_341 : i32 to vector<16xi32>
      %add3A_343 = arith.addi %mul3A_31, %add3A_342 : vector<16xi32>
      %gather3A_344 = tpu.vector_load_idx %arg13[%add3A_343] : memref<960xf32, #tpu.memory_space<vmem>>[vector<16xi32>], vector<16xf32>,
      %mul3A_345 = arith.constant 0 : i32
      %mul3A_346 = vector.broadcast %mul3A_345 : i32 to vector<16xi32>
      %mul3A_347 = arith.muli %iota3A, %mul3A_346 : vector<16xi32>
      %add3A_348 = arith.constant 31 : i32
      %add3A_349 = vector.broadcast %add3A_348 : i32 to vector<16xi32>
      %add3A_350 = arith.addi %mul3A_347, %add3A_349 : vector<16xi32>
      tpu.vector_store_idx %arg15[%add3A_22, %add3A_350], %gather3A_344 : memref<512x128xf32, #tpu.memory_space<vmem>>[vector<16xi32>, vector<16xi32>], vector<16xf32>,
      %mul3A_351 = arith.constant 16 : i32
      %mul3A_352 = arith.muli %scan3A_18, %mul3A_351 : i32
      %get3A_353 = arith.index_cast %mul3A_352 : i32 to index
      %get3A_354 = tpu.vector_load %arg10[%get3A_353] {strides = array<i32>} : memref<512xi32, #tpu.memory_space<vmem>>, vector<16xi32>,
      %add3A_355 = arith.constant 2 : i32
      %add3A_356 = vector.broadcast %add3A_355 : i32 to vector<16xi32>
      %add3A_357 = arith.addi %get3A_354, %add3A_356 : vector<16xi32>
      %mul3A_358 = arith.constant 32 : i32
      %mul3A_359 = vector.broadcast %mul3A_358 : i32 to vector<16xi32>
      %mul3A_360 = arith.muli %add3A_357, %mul3A_359 : vector<16xi32>
      %add3A_361 = arith.constant 0 : i32
      %add3A_362 = vector.broadcast %add3A_361 : i32 to vector<16xi32>
      %add3A_363 = arith.addi %mul3A_360, %add3A_362 : vector<16xi32>
      %gather3A_364 = tpu.vector_load_idx %arg13[%add3A_363] : memref<960xf32, #tpu.memory_space<vmem>>[vector<16xi32>], vector<16xf32>,
      %mul3A_365 = arith.constant 0 : i32
      %mul3A_366 = vector.broadcast %mul3A_365 : i32 to vector<16xi32>
      %mul3A_367 = arith.muli %iota3A, %mul3A_366 : vector<16xi32>
      %add3A_368 = arith.constant 32 : i32
      %add3A_369 = vector.broadcast %add3A_368 : i32 to vector<16xi32>
      %add3A_370 = arith.addi %mul3A_367, %add3A_369 : vector<16xi32>
      tpu.vector_store_idx %arg15[%add3A_22, %add3A_370], %gather3A_364 : memref<512x128xf32, #tpu.memory_space<vmem>>[vector<16xi32>, vector<16xi32>], vector<16xf32>,
      %add3A_371 = arith.constant 1 : i32
      %add3A_372 = vector.broadcast %add3A_371 : i32 to vector<16xi32>
      %add3A_373 = arith.addi %mul3A_360, %add3A_372 : vector<16xi32>
      %gather3A_374 = tpu.vector_load_idx %arg13[%add3A_373] : memref<960xf32, #tpu.memory_space<vmem>>[vector<16xi32>], vector<16xf32>,
      %mul3A_375 = arith.constant 0 : i32
      %mul3A_376 = vector.broadcast %mul3A_375 : i32 to vector<16xi32>
      %mul3A_377 = arith.muli %iota3A, %mul3A_376 : vector<16xi32>
      %add3A_378 = arith.constant 33 : i32
      %add3A_379 = vector.broadcast %add3A_378 : i32 to vector<16xi32>
      %add3A_380 = arith.addi %mul3A_377, %add3A_379 : vector<16xi32>
      tpu.vector_store_idx %arg15[%add3A_22, %add3A_380], %gather3A_374 : memref<512x128xf32, #tpu.memory_space<vmem>>[vector<16xi32>, vector<16xi32>], vector<16xf32>,
      %add3A_381 = arith.constant 2 : i32
      %add3A_382 = vector.broadcast %add3A_381 : i32 to vector<16xi32>
      %add3A_383 = arith.addi %mul3A_360, %add3A_382 : vector<16xi32>
      %gather3A_384 = tpu.vector_load_idx %arg13[%add3A_383] : memref<960xf32, #tpu.memory_space<vmem>>[vector<16xi32>], vector<16xf32>,
      %mul3A_385 = arith.constant 0 : i32
      %mul3A_386 = vector.broadcast %mul3A_385 : i32 to vector<16xi32>
      %mul3A_387 = arith.muli %iota3A, %mul3A_386 : vector<16xi32>
      %add3A_388 = arith.constant 34 : i32
      %add3A_389 = vector.broadcast %add3A_388 : i32 to vector<16xi32>
      %add3A_390 = arith.addi %mul3A_387, %add3A_389 : vector<16xi32>
      tpu.vector_store_idx %arg15[%add3A_22, %add3A_390], %gather3A_384 : memref<512x128xf32, #tpu.memory_space<vmem>>[vector<16xi32>, vector<16xi32>], vector<16xf32>,
      %add3A_391 = arith.constant 3 : i32
      %add3A_392 = vector.broadcast %add3A_391 : i32 to vector<16xi32>
      %add3A_393 = arith.addi %mul3A_360, %add3A_392 : vector<16xi32>
      %gather3A_394 = tpu.vector_load_idx %arg13[%add3A_393] : memref<960xf32, #tpu.memory_space<vmem>>[vector<16xi32>], vector<16xf32>,
      %mul3A_395 = arith.constant 0 : i32
      %mul3A_396 = vector.broadcast %mul3A_395 : i32 to vector<16xi32>
      %mul3A_397 = arith.muli %iota3A, %mul3A_396 : vector<16xi32>
      %add3A_398 = arith.constant 35 : i32
      %add3A_399 = vector.broadcast %add3A_398 : i32 to vector<16xi32>
      %add3A_400 = arith.addi %mul3A_397, %add3A_399 : vector<16xi32>
      tpu.vector_store_idx %arg15[%add3A_22, %add3A_400], %gather3A_394 : memref<512x128xf32, #tpu.memory_space<vmem>>[vector<16xi32>, vector<16xi32>], vector<16xf32>,
      %add3A_401 = arith.constant 4 : i32
      %add3A_402 = vector.broadcast %add3A_401 : i32 to vector<16xi32>
      %add3A_403 = arith.addi %mul3A_360, %add3A_402 : vector<16xi32>
      %gather3A_404 = tpu.vector_load_idx %arg13[%add3A_403] : memref<960xf32, #tpu.memory_space<vmem>>[vector<16xi32>], vector<16xf32>,
      %mul3A_405 = arith.constant 0 : i32
      %mul3A_406 = vector.broadcast %mul3A_405 : i32 to vector<16xi32>
      %mul3A_407 = arith.muli %iota3A, %mul3A_406 : vector<16xi32>
      %add3A_408 = arith.constant 36 : i32
      %add3A_409 = vector.broadcast %add3A_408 : i32 to vector<16xi32>
      %add3A_410 = arith.addi %mul3A_407, %add3A_409 : vector<16xi32>
      tpu.vector_store_idx %arg15[%add3A_22, %add3A_410], %gather3A_404 : memref<512x128xf32, #tpu.memory_space<vmem>>[vector<16xi32>, vector<16xi32>], vector<16xf32>,
      %add3A_411 = arith.constant 5 : i32
      %add3A_412 = vector.broadcast %add3A_411 : i32 to vector<16xi32>
      %add3A_413 = arith.addi %mul3A_360, %add3A_412 : vector<16xi32>
      %gather3A_414 = tpu.vector_load_idx %arg13[%add3A_413] : memref<960xf32, #tpu.memory_space<vmem>>[vector<16xi32>], vector<16xf32>,
      %mul3A_415 = arith.constant 0 : i32
      %mul3A_416 = vector.broadcast %mul3A_415 : i32 to vector<16xi32>
      %mul3A_417 = arith.muli %iota3A, %mul3A_416 : vector<16xi32>
      %add3A_418 = arith.constant 37 : i32
      %add3A_419 = vector.broadcast %add3A_418 : i32 to vector<16xi32>
      %add3A_420 = arith.addi %mul3A_417, %add3A_419 : vector<16xi32>
      tpu.vector_store_idx %arg15[%add3A_22, %add3A_420], %gather3A_414 : memref<512x128xf32, #tpu.memory_space<vmem>>[vector<16xi32>, vector<16xi32>], vector<16xf32>,
      %add3A_421 = arith.constant 6 : i32
      %add3A_422 = vector.broadcast %add3A_421 : i32 to vector<16xi32>
      %add3A_423 = arith.addi %mul3A_360, %add3A_422 : vector<16xi32>
      %gather3A_424 = tpu.vector_load_idx %arg13[%add3A_423] : memref<960xf32, #tpu.memory_space<vmem>>[vector<16xi32>], vector<16xf32>,
      %mul3A_425 = arith.constant 0 : i32
      %mul3A_426 = vector.broadcast %mul3A_425 : i32 to vector<16xi32>
      %mul3A_427 = arith.muli %iota3A, %mul3A_426 : vector<16xi32>
      %add3A_428 = arith.constant 38 : i32
      %add3A_429 = vector.broadcast %add3A_428 : i32 to vector<16xi32>
      %add3A_430 = arith.addi %mul3A_427, %add3A_429 : vector<16xi32>
      tpu.vector_store_idx %arg15[%add3A_22, %add3A_430], %gather3A_424 : memref<512x128xf32, #tpu.memory_space<vmem>>[vector<16xi32>, vector<16xi32>], vector<16xf32>,
      %add3A_431 = arith.constant 7 : i32
      %add3A_432 = vector.broadcast %add3A_431 : i32 to vector<16xi32>
      %add3A_433 = arith.addi %mul3A_360, %add3A_432 : vector<16xi32>
      %gather3A_434 = tpu.vector_load_idx %arg13[%add3A_433] : memref<960xf32, #tpu.memory_space<vmem>>[vector<16xi32>], vector<16xf32>,
      %mul3A_435 = arith.constant 0 : i32
      %mul3A_436 = vector.broadcast %mul3A_435 : i32 to vector<16xi32>
      %mul3A_437 = arith.muli %iota3A, %mul3A_436 : vector<16xi32>
      %add3A_438 = arith.constant 39 : i32
      %add3A_439 = vector.broadcast %add3A_438 : i32 to vector<16xi32>
      %add3A_440 = arith.addi %mul3A_437, %add3A_439 : vector<16xi32>
      tpu.vector_store_idx %arg15[%add3A_22, %add3A_440], %gather3A_434 : memref<512x128xf32, #tpu.memory_space<vmem>>[vector<16xi32>, vector<16xi32>], vector<16xf32>,
      %add3A_441 = arith.constant 8 : i32
      %add3A_442 = vector.broadcast %add3A_441 : i32 to vector<16xi32>
      %add3A_443 = arith.addi %mul3A_360, %add3A_442 : vector<16xi32>
      %gather3A_444 = tpu.vector_load_idx %arg13[%add3A_443] : memref<960xf32, #tpu.memory_space<vmem>>[vector<16xi32>], vector<16xf32>,
      %mul3A_445 = arith.constant 0 : i32
      %mul3A_446 = vector.broadcast %mul3A_445 : i32 to vector<16xi32>
      %mul3A_447 = arith.muli %iota3A, %mul3A_446 : vector<16xi32>
      %add3A_448 = arith.constant 40 : i32
      %add3A_449 = vector.broadcast %add3A_448 : i32 to vector<16xi32>
      %add3A_450 = arith.addi %mul3A_447, %add3A_449 : vector<16xi32>
      tpu.vector_store_idx %arg15[%add3A_22, %add3A_450], %gather3A_444 : memref<512x128xf32, #tpu.memory_space<vmem>>[vector<16xi32>, vector<16xi32>], vector<16xf32>,
      %add3A_451 = arith.constant 9 : i32
      %add3A_452 = vector.broadcast %add3A_451 : i32 to vector<16xi32>
      %add3A_453 = arith.addi %mul3A_360, %add3A_452 : vector<16xi32>
      %gather3A_454 = tpu.vector_load_idx %arg13[%add3A_453] : memref<960xf32, #tpu.memory_space<vmem>>[vector<16xi32>], vector<16xf32>,
      %mul3A_455 = arith.constant 0 : i32
      %mul3A_456 = vector.broadcast %mul3A_455 : i32 to vector<16xi32>
      %mul3A_457 = arith.muli %iota3A, %mul3A_456 : vector<16xi32>
      %add3A_458 = arith.constant 41 : i32
      %add3A_459 = vector.broadcast %add3A_458 : i32 to vector<16xi32>
      %add3A_460 = arith.addi %mul3A_457, %add3A_459 : vector<16xi32>
      tpu.vector_store_idx %arg15[%add3A_22, %add3A_460], %gather3A_454 : memref<512x128xf32, #tpu.memory_space<vmem>>[vector<16xi32>, vector<16xi32>], vector<16xf32>,
      %add3A_461 = arith.constant 10 : i32
      %add3A_462 = vector.broadcast %add3A_461 : i32 to vector<16xi32>
      %add3A_463 = arith.addi %mul3A_360, %add3A_462 : vector<16xi32>
      %gather3A_464 = tpu.vector_load_idx %arg13[%add3A_463] : memref<960xf32, #tpu.memory_space<vmem>>[vector<16xi32>], vector<16xf32>,
      %mul3A_465 = arith.constant 0 : i32
      %mul3A_466 = vector.broadcast %mul3A_465 : i32 to vector<16xi32>
      %mul3A_467 = arith.muli %iota3A, %mul3A_466 : vector<16xi32>
      %add3A_468 = arith.constant 42 : i32
      %add3A_469 = vector.broadcast %add3A_468 : i32 to vector<16xi32>
      %add3A_470 = arith.addi %mul3A_467, %add3A_469 : vector<16xi32>
      tpu.vector_store_idx %arg15[%add3A_22, %add3A_470], %gather3A_464 : memref<512x128xf32, #tpu.memory_space<vmem>>[vector<16xi32>, vector<16xi32>], vector<16xf32>,
      %add3A_471 = arith.constant 11 : i32
      %add3A_472 = vector.broadcast %add3A_471 : i32 to vector<16xi32>
      %add3A_473 = arith.addi %mul3A_360, %add3A_472 : vector<16xi32>
      %gather3A_474 = tpu.vector_load_idx %arg13[%add3A_473] : memref<960xf32, #tpu.memory_space<vmem>>[vector<16xi32>], vector<16xf32>,
      %mul3A_475 = arith.constant 0 : i32
      %mul3A_476 = vector.broadcast %mul3A_475 : i32 to vector<16xi32>
      %mul3A_477 = arith.muli %iota3A, %mul3A_476 : vector<16xi32>
      %add3A_478 = arith.constant 43 : i32
      %add3A_479 = vector.broadcast %add3A_478 : i32 to vector<16xi32>
      %add3A_480 = arith.addi %mul3A_477, %add3A_479 : vector<16xi32>
      tpu.vector_store_idx %arg15[%add3A_22, %add3A_480], %gather3A_474 : memref<512x128xf32, #tpu.memory_space<vmem>>[vector<16xi32>, vector<16xi32>], vector<16xf32>,
      %add3A_481 = arith.constant 12 : i32
      %add3A_482 = vector.broadcast %add3A_481 : i32 to vector<16xi32>
      %add3A_483 = arith.addi %mul3A_360, %add3A_482 : vector<16xi32>
      %gather3A_484 = tpu.vector_load_idx %arg13[%add3A_483] : memref<960xf32, #tpu.memory_space<vmem>>[vector<16xi32>], vector<16xf32>,
      %mul3A_485 = arith.constant 0 : i32
      %mul3A_486 = vector.broadcast %mul3A_485 : i32 to vector<16xi32>
      %mul3A_487 = arith.muli %iota3A, %mul3A_486 : vector<16xi32>
      %add3A_488 = arith.constant 44 : i32
      %add3A_489 = vector.broadcast %add3A_488 : i32 to vector<16xi32>
      %add3A_490 = arith.addi %mul3A_487, %add3A_489 : vector<16xi32>
      tpu.vector_store_idx %arg15[%add3A_22, %add3A_490], %gather3A_484 : memref<512x128xf32, #tpu.memory_space<vmem>>[vector<16xi32>, vector<16xi32>], vector<16xf32>,
      %add3A_491 = arith.constant 13 : i32
      %add3A_492 = vector.broadcast %add3A_491 : i32 to vector<16xi32>
      %add3A_493 = arith.addi %mul3A_360, %add3A_492 : vector<16xi32>
      %gather3A_494 = tpu.vector_load_idx %arg13[%add3A_493] : memref<960xf32, #tpu.memory_space<vmem>>[vector<16xi32>], vector<16xf32>,
      %mul3A_495 = arith.constant 0 : i32
      %mul3A_496 = vector.broadcast %mul3A_495 : i32 to vector<16xi32>
      %mul3A_497 = arith.muli %iota3A, %mul3A_496 : vector<16xi32>
      %add3A_498 = arith.constant 45 : i32
      %add3A_499 = vector.broadcast %add3A_498 : i32 to vector<16xi32>
      %add3A_500 = arith.addi %mul3A_497, %add3A_499 : vector<16xi32>
      tpu.vector_store_idx %arg15[%add3A_22, %add3A_500], %gather3A_494 : memref<512x128xf32, #tpu.memory_space<vmem>>[vector<16xi32>, vector<16xi32>], vector<16xf32>,
      %add3A_501 = arith.constant 14 : i32
      %add3A_502 = vector.broadcast %add3A_501 : i32 to vector<16xi32>
      %add3A_503 = arith.addi %mul3A_360, %add3A_502 : vector<16xi32>
      %gather3A_504 = tpu.vector_load_idx %arg13[%add3A_503] : memref<960xf32, #tpu.memory_space<vmem>>[vector<16xi32>], vector<16xf32>,
      %mul3A_505 = arith.constant 0 : i32
      %mul3A_506 = vector.broadcast %mul3A_505 : i32 to vector<16xi32>
      %mul3A_507 = arith.muli %iota3A, %mul3A_506 : vector<16xi32>
      %add3A_508 = arith.constant 46 : i32
      %add3A_509 = vector.broadcast %add3A_508 : i32 to vector<16xi32>
      %add3A_510 = arith.addi %mul3A_507, %add3A_509 : vector<16xi32>
      tpu.vector_store_idx %arg15[%add3A_22, %add3A_510], %gather3A_504 : memref<512x128xf32, #tpu.memory_space<vmem>>[vector<16xi32>, vector<16xi32>], vector<16xf32>,
      %add3A_511 = arith.constant 15 : i32
      %add3A_512 = vector.broadcast %add3A_511 : i32 to vector<16xi32>
      %add3A_513 = arith.addi %mul3A_360, %add3A_512 : vector<16xi32>
      %gather3A_514 = tpu.vector_load_idx %arg13[%add3A_513] : memref<960xf32, #tpu.memory_space<vmem>>[vector<16xi32>], vector<16xf32>,
      %mul3A_515 = arith.constant 0 : i32
      %mul3A_516 = vector.broadcast %mul3A_515 : i32 to vector<16xi32>
      %mul3A_517 = arith.muli %iota3A, %mul3A_516 : vector<16xi32>
      %add3A_518 = arith.constant 47 : i32
      %add3A_519 = vector.broadcast %add3A_518 : i32 to vector<16xi32>
      %add3A_520 = arith.addi %mul3A_517, %add3A_519 : vector<16xi32>
      tpu.vector_store_idx %arg15[%add3A_22, %add3A_520], %gather3A_514 : memref<512x128xf32, #tpu.memory_space<vmem>>[vector<16xi32>, vector<16xi32>], vector<16xf32>,
      %add3A_521 = arith.constant 16 : i32
      %add3A_522 = vector.broadcast %add3A_521 : i32 to vector<16xi32>
      %add3A_523 = arith.addi %mul3A_360, %add3A_522 : vector<16xi32>
      %gather3A_524 = tpu.vector_load_idx %arg13[%add3A_523] : memref<960xf32, #tpu.memory_space<vmem>>[vector<16xi32>], vector<16xf32>,
      %mul3A_525 = arith.constant 0 : i32
      %mul3A_526 = vector.broadcast %mul3A_525 : i32 to vector<16xi32>
      %mul3A_527 = arith.muli %iota3A, %mul3A_526 : vector<16xi32>
      %add3A_528 = arith.constant 48 : i32
      %add3A_529 = vector.broadcast %add3A_528 : i32 to vector<16xi32>
      %add3A_530 = arith.addi %mul3A_527, %add3A_529 : vector<16xi32>
      tpu.vector_store_idx %arg15[%add3A_22, %add3A_530], %gather3A_524 : memref<512x128xf32, #tpu.memory_space<vmem>>[vector<16xi32>, vector<16xi32>], vector<16xf32>,
      %add3A_531 = arith.constant 17 : i32
      %add3A_532 = vector.broadcast %add3A_531 : i32 to vector<16xi32>
      %add3A_533 = arith.addi %mul3A_360, %add3A_532 : vector<16xi32>
      %gather3A_534 = tpu.vector_load_idx %arg13[%add3A_533] : memref<960xf32, #tpu.memory_space<vmem>>[vector<16xi32>], vector<16xf32>,
      %mul3A_535 = arith.constant 0 : i32
      %mul3A_536 = vector.broadcast %mul3A_535 : i32 to vector<16xi32>
      %mul3A_537 = arith.muli %iota3A, %mul3A_536 : vector<16xi32>
      %add3A_538 = arith.constant 49 : i32
      %add3A_539 = vector.broadcast %add3A_538 : i32 to vector<16xi32>
      %add3A_540 = arith.addi %mul3A_537, %add3A_539 : vector<16xi32>
      tpu.vector_store_idx %arg15[%add3A_22, %add3A_540], %gather3A_534 : memref<512x128xf32, #tpu.memory_space<vmem>>[vector<16xi32>, vector<16xi32>], vector<16xf32>,
      %add3A_541 = arith.constant 18 : i32
      %add3A_542 = vector.broadcast %add3A_541 : i32 to vector<16xi32>
      %add3A_543 = arith.addi %mul3A_360, %add3A_542 : vector<16xi32>
      %gather3A_544 = tpu.vector_load_idx %arg13[%add3A_543] : memref<960xf32, #tpu.memory_space<vmem>>[vector<16xi32>], vector<16xf32>,
      %mul3A_545 = arith.constant 0 : i32
      %mul3A_546 = vector.broadcast %mul3A_545 : i32 to vector<16xi32>
      %mul3A_547 = arith.muli %iota3A, %mul3A_546 : vector<16xi32>
      %add3A_548 = arith.constant 50 : i32
      %add3A_549 = vector.broadcast %add3A_548 : i32 to vector<16xi32>
      %add3A_550 = arith.addi %mul3A_547, %add3A_549 : vector<16xi32>
      tpu.vector_store_idx %arg15[%add3A_22, %add3A_550], %gather3A_544 : memref<512x128xf32, #tpu.memory_space<vmem>>[vector<16xi32>, vector<16xi32>], vector<16xf32>,
      %add3A_551 = arith.constant 19 : i32
      %add3A_552 = vector.broadcast %add3A_551 : i32 to vector<16xi32>
      %add3A_553 = arith.addi %mul3A_360, %add3A_552 : vector<16xi32>
      %gather3A_554 = tpu.vector_load_idx %arg13[%add3A_553] : memref<960xf32, #tpu.memory_space<vmem>>[vector<16xi32>], vector<16xf32>,
      %mul3A_555 = arith.constant 0 : i32
      %mul3A_556 = vector.broadcast %mul3A_555 : i32 to vector<16xi32>
      %mul3A_557 = arith.muli %iota3A, %mul3A_556 : vector<16xi32>
      %add3A_558 = arith.constant 51 : i32
      %add3A_559 = vector.broadcast %add3A_558 : i32 to vector<16xi32>
      %add3A_560 = arith.addi %mul3A_557, %add3A_559 : vector<16xi32>
      tpu.vector_store_idx %arg15[%add3A_22, %add3A_560], %gather3A_554 : memref<512x128xf32, #tpu.memory_space<vmem>>[vector<16xi32>, vector<16xi32>], vector<16xf32>,
      %add3A_561 = arith.constant 20 : i32
      %add3A_562 = vector.broadcast %add3A_561 : i32 to vector<16xi32>
      %add3A_563 = arith.addi %mul3A_360, %add3A_562 : vector<16xi32>
      %gather3A_564 = tpu.vector_load_idx %arg13[%add3A_563] : memref<960xf32, #tpu.memory_space<vmem>>[vector<16xi32>], vector<16xf32>,
      %mul3A_565 = arith.constant 0 : i32
      %mul3A_566 = vector.broadcast %mul3A_565 : i32 to vector<16xi32>
      %mul3A_567 = arith.muli %iota3A, %mul3A_566 : vector<16xi32>
      %add3A_568 = arith.constant 52 : i32
      %add3A_569 = vector.broadcast %add3A_568 : i32 to vector<16xi32>
      %add3A_570 = arith.addi %mul3A_567, %add3A_569 : vector<16xi32>
      tpu.vector_store_idx %arg15[%add3A_22, %add3A_570], %gather3A_564 : memref<512x128xf32, #tpu.memory_space<vmem>>[vector<16xi32>, vector<16xi32>], vector<16xf32>,
      %add3A_571 = arith.constant 21 : i32
      %add3A_572 = vector.broadcast %add3A_571 : i32 to vector<16xi32>
      %add3A_573 = arith.addi %mul3A_360, %add3A_572 : vector<16xi32>
      %gather3A_574 = tpu.vector_load_idx %arg13[%add3A_573] : memref<960xf32, #tpu.memory_space<vmem>>[vector<16xi32>], vector<16xf32>,
      %mul3A_575 = arith.constant 0 : i32
      %mul3A_576 = vector.broadcast %mul3A_575 : i32 to vector<16xi32>
      %mul3A_577 = arith.muli %iota3A, %mul3A_576 : vector<16xi32>
      %add3A_578 = arith.constant 53 : i32
      %add3A_579 = vector.broadcast %add3A_578 : i32 to vector<16xi32>
      %add3A_580 = arith.addi %mul3A_577, %add3A_579 : vector<16xi32>
      tpu.vector_store_idx %arg15[%add3A_22, %add3A_580], %gather3A_574 : memref<512x128xf32, #tpu.memory_space<vmem>>[vector<16xi32>, vector<16xi32>], vector<16xf32>,
      %add3A_581 = arith.constant 22 : i32
      %add3A_582 = vector.broadcast %add3A_581 : i32 to vector<16xi32>
      %add3A_583 = arith.addi %mul3A_360, %add3A_582 : vector<16xi32>
      %gather3A_584 = tpu.vector_load_idx %arg13[%add3A_583] : memref<960xf32, #tpu.memory_space<vmem>>[vector<16xi32>], vector<16xf32>,
      %mul3A_585 = arith.constant 0 : i32
      %mul3A_586 = vector.broadcast %mul3A_585 : i32 to vector<16xi32>
      %mul3A_587 = arith.muli %iota3A, %mul3A_586 : vector<16xi32>
      %add3A_588 = arith.constant 54 : i32
      %add3A_589 = vector.broadcast %add3A_588 : i32 to vector<16xi32>
      %add3A_590 = arith.addi %mul3A_587, %add3A_589 : vector<16xi32>
      tpu.vector_store_idx %arg15[%add3A_22, %add3A_590], %gather3A_584 : memref<512x128xf32, #tpu.memory_space<vmem>>[vector<16xi32>, vector<16xi32>], vector<16xf32>,
      %add3A_591 = arith.constant 23 : i32
      %add3A_592 = vector.broadcast %add3A_591 : i32 to vector<16xi32>
      %add3A_593 = arith.addi %mul3A_360, %add3A_592 : vector<16xi32>
      %gather3A_594 = tpu.vector_load_idx %arg13[%add3A_593] : memref<960xf32, #tpu.memory_space<vmem>>[vector<16xi32>], vector<16xf32>,
      %mul3A_595 = arith.constant 0 : i32
      %mul3A_596 = vector.broadcast %mul3A_595 : i32 to vector<16xi32>
      %mul3A_597 = arith.muli %iota3A, %mul3A_596 : vector<16xi32>
      %add3A_598 = arith.constant 55 : i32
      %add3A_599 = vector.broadcast %add3A_598 : i32 to vector<16xi32>
      %add3A_600 = arith.addi %mul3A_597, %add3A_599 : vector<16xi32>
      tpu.vector_store_idx %arg15[%add3A_22, %add3A_600], %gather3A_594 : memref<512x128xf32, #tpu.memory_space<vmem>>[vector<16xi32>, vector<16xi32>], vector<16xf32>,
      %add3A_601 = arith.constant 24 : i32
      %add3A_602 = vector.broadcast %add3A_601 : i32 to vector<16xi32>
      %add3A_603 = arith.addi %mul3A_360, %add3A_602 : vector<16xi32>
      %gather3A_604 = tpu.vector_load_idx %arg13[%add3A_603] : memref<960xf32, #tpu.memory_space<vmem>>[vector<16xi32>], vector<16xf32>,
      %mul3A_605 = arith.constant 0 : i32
      %mul3A_606 = vector.broadcast %mul3A_605 : i32 to vector<16xi32>
      %mul3A_607 = arith.muli %iota3A, %mul3A_606 : vector<16xi32>
      %add3A_608 = arith.constant 56 : i32
      %add3A_609 = vector.broadcast %add3A_608 : i32 to vector<16xi32>
      %add3A_610 = arith.addi %mul3A_607, %add3A_609 : vector<16xi32>
      tpu.vector_store_idx %arg15[%add3A_22, %add3A_610], %gather3A_604 : memref<512x128xf32, #tpu.memory_space<vmem>>[vector<16xi32>, vector<16xi32>], vector<16xf32>,
      %add3A_611 = arith.constant 25 : i32
      %add3A_612 = vector.broadcast %add3A_611 : i32 to vector<16xi32>
      %add3A_613 = arith.addi %mul3A_360, %add3A_612 : vector<16xi32>
      %gather3A_614 = tpu.vector_load_idx %arg13[%add3A_613] : memref<960xf32, #tpu.memory_space<vmem>>[vector<16xi32>], vector<16xf32>,
      %mul3A_615 = arith.constant 0 : i32
      %mul3A_616 = vector.broadcast %mul3A_615 : i32 to vector<16xi32>
      %mul3A_617 = arith.muli %iota3A, %mul3A_616 : vector<16xi32>
      %add3A_618 = arith.constant 57 : i32
      %add3A_619 = vector.broadcast %add3A_618 : i32 to vector<16xi32>
      %add3A_620 = arith.addi %mul3A_617, %add3A_619 : vector<16xi32>
      tpu.vector_store_idx %arg15[%add3A_22, %add3A_620], %gather3A_614 : memref<512x128xf32, #tpu.memory_space<vmem>>[vector<16xi32>, vector<16xi32>], vector<16xf32>,
      %add3A_621 = arith.constant 26 : i32
      %add3A_622 = vector.broadcast %add3A_621 : i32 to vector<16xi32>
      %add3A_623 = arith.addi %mul3A_360, %add3A_622 : vector<16xi32>
      %gather3A_624 = tpu.vector_load_idx %arg13[%add3A_623] : memref<960xf32, #tpu.memory_space<vmem>>[vector<16xi32>], vector<16xf32>,
      %mul3A_625 = arith.constant 0 : i32
      %mul3A_626 = vector.broadcast %mul3A_625 : i32 to vector<16xi32>
      %mul3A_627 = arith.muli %iota3A, %mul3A_626 : vector<16xi32>
      %add3A_628 = arith.constant 58 : i32
      %add3A_629 = vector.broadcast %add3A_628 : i32 to vector<16xi32>
      %add3A_630 = arith.addi %mul3A_627, %add3A_629 : vector<16xi32>
      tpu.vector_store_idx %arg15[%add3A_22, %add3A_630], %gather3A_624 : memref<512x128xf32, #tpu.memory_space<vmem>>[vector<16xi32>, vector<16xi32>], vector<16xf32>,
      %add3A_631 = arith.constant 27 : i32
      %add3A_632 = vector.broadcast %add3A_631 : i32 to vector<16xi32>
      %add3A_633 = arith.addi %mul3A_360, %add3A_632 : vector<16xi32>
      %gather3A_634 = tpu.vector_load_idx %arg13[%add3A_633] : memref<960xf32, #tpu.memory_space<vmem>>[vector<16xi32>], vector<16xf32>,
      %mul3A_635 = arith.constant 0 : i32
      %mul3A_636 = vector.broadcast %mul3A_635 : i32 to vector<16xi32>
      %mul3A_637 = arith.muli %iota3A, %mul3A_636 : vector<16xi32>
      %add3A_638 = arith.constant 59 : i32
      %add3A_639 = vector.broadcast %add3A_638 : i32 to vector<16xi32>
      %add3A_640 = arith.addi %mul3A_637, %add3A_639 : vector<16xi32>
      tpu.vector_store_idx %arg15[%add3A_22, %add3A_640], %gather3A_634 : memref<512x128xf32, #tpu.memory_space<vmem>>[vector<16xi32>, vector<16xi32>], vector<16xf32>,
      %add3A_641 = arith.constant 28 : i32
      %add3A_642 = vector.broadcast %add3A_641 : i32 to vector<16xi32>
      %add3A_643 = arith.addi %mul3A_360, %add3A_642 : vector<16xi32>
      %gather3A_644 = tpu.vector_load_idx %arg13[%add3A_643] : memref<960xf32, #tpu.memory_space<vmem>>[vector<16xi32>], vector<16xf32>,
      %mul3A_645 = arith.constant 0 : i32
      %mul3A_646 = vector.broadcast %mul3A_645 : i32 to vector<16xi32>
      %mul3A_647 = arith.muli %iota3A, %mul3A_646 : vector<16xi32>
      %add3A_648 = arith.constant 60 : i32
      %add3A_649 = vector.broadcast %add3A_648 : i32 to vector<16xi32>
      %add3A_650 = arith.addi %mul3A_647, %add3A_649 : vector<16xi32>
      tpu.vector_store_idx %arg15[%add3A_22, %add3A_650], %gather3A_644 : memref<512x128xf32, #tpu.memory_space<vmem>>[vector<16xi32>, vector<16xi32>], vector<16xf32>,
      %add3A_651 = arith.constant 29 : i32
      %add3A_652 = vector.broadcast %add3A_651 : i32 to vector<16xi32>
      %add3A_653 = arith.addi %mul3A_360, %add3A_652 : vector<16xi32>
      %gather3A_654 = tpu.vector_load_idx %arg13[%add3A_653] : memref<960xf32, #tpu.memory_space<vmem>>[vector<16xi32>], vector<16xf32>,
      %mul3A_655 = arith.constant 0 : i32
      %mul3A_656 = vector.broadcast %mul3A_655 : i32 to vector<16xi32>
      %mul3A_657 = arith.muli %iota3A, %mul3A_656 : vector<16xi32>
      %add3A_658 = arith.constant 61 : i32
      %add3A_659 = vector.broadcast %add3A_658 : i32 to vector<16xi32>
      %add3A_660 = arith.addi %mul3A_657, %add3A_659 : vector<16xi32>
      tpu.vector_store_idx %arg15[%add3A_22, %add3A_660], %gather3A_654 : memref<512x128xf32, #tpu.memory_space<vmem>>[vector<16xi32>, vector<16xi32>], vector<16xf32>,
      %add3A_661 = arith.constant 30 : i32
      %add3A_662 = vector.broadcast %add3A_661 : i32 to vector<16xi32>
      %add3A_663 = arith.addi %mul3A_360, %add3A_662 : vector<16xi32>
      %gather3A_664 = tpu.vector_load_idx %arg13[%add3A_663] : memref<960xf32, #tpu.memory_space<vmem>>[vector<16xi32>], vector<16xf32>,
      %mul3A_665 = arith.constant 0 : i32
      %mul3A_666 = vector.broadcast %mul3A_665 : i32 to vector<16xi32>
      %mul3A_667 = arith.muli %iota3A, %mul3A_666 : vector<16xi32>
      %add3A_668 = arith.constant 62 : i32
      %add3A_669 = vector.broadcast %add3A_668 : i32 to vector<16xi32>
      %add3A_670 = arith.addi %mul3A_667, %add3A_669 : vector<16xi32>
      tpu.vector_store_idx %arg15[%add3A_22, %add3A_670], %gather3A_664 : memref<512x128xf32, #tpu.memory_space<vmem>>[vector<16xi32>, vector<16xi32>], vector<16xf32>,
      %add3A_671 = arith.constant 31 : i32
      %add3A_672 = vector.broadcast %add3A_671 : i32 to vector<16xi32>
      %add3A_673 = arith.addi %mul3A_360, %add3A_672 : vector<16xi32>
      %gather3A_674 = tpu.vector_load_idx %arg13[%add3A_673] : memref<960xf32, #tpu.memory_space<vmem>>[vector<16xi32>], vector<16xf32>,
      %mul3A_675 = arith.constant 0 : i32
      %mul3A_676 = vector.broadcast %mul3A_675 : i32 to vector<16xi32>
      %mul3A_677 = arith.muli %iota3A, %mul3A_676 : vector<16xi32>
      %add3A_678 = arith.constant 63 : i32
      %add3A_679 = vector.broadcast %add3A_678 : i32 to vector<16xi32>
      %add3A_680 = arith.addi %mul3A_677, %add3A_679 : vector<16xi32>
      tpu.vector_store_idx %arg15[%add3A_22, %add3A_680], %gather3A_674 : memref<512x128xf32, #tpu.memory_space<vmem>>[vector<16xi32>, vector<16xi32>], vector<16xf32>,
      %mul3A_681 = arith.constant 16 : i32
      %mul3A_682 = arith.muli %scan3A_18, %mul3A_681 : i32
      %get3A_683 = arith.index_cast %mul3A_682 : i32 to index
      %get3A_684 = tpu.vector_load %arg11[%get3A_683] {strides = array<i32>} : memref<512xi32, #tpu.memory_space<vmem>>, vector<16xi32>,
      %add3A_685 = arith.constant 9 : i32
      %add3A_686 = vector.broadcast %add3A_685 : i32 to vector<16xi32>
      %add3A_687 = arith.addi %get3A_684, %add3A_686 : vector<16xi32>
      %mul3A_688 = arith.constant 32 : i32
      %mul3A_689 = vector.broadcast %mul3A_688 : i32 to vector<16xi32>
      %mul3A_690 = arith.muli %add3A_687, %mul3A_689 : vector<16xi32>
      %add3A_691 = arith.constant 0 : i32
      %add3A_692 = vector.broadcast %add3A_691 : i32 to vector<16xi32>
      %add3A_693 = arith.addi %mul3A_690, %add3A_692 : vector<16xi32>
      %gather3A_694 = tpu.vector_load_idx %arg13[%add3A_693] : memref<960xf32, #tpu.memory_space<vmem>>[vector<16xi32>], vector<16xf32>,
      %mul3A_695 = arith.constant 0 : i32
      %mul3A_696 = vector.broadcast %mul3A_695 : i32 to vector<16xi32>
      %mul3A_697 = arith.muli %iota3A, %mul3A_696 : vector<16xi32>
      %add3A_698 = arith.constant 64 : i32
      %add3A_699 = vector.broadcast %add3A_698 : i32 to vector<16xi32>
      %add3A_700 = arith.addi %mul3A_697, %add3A_699 : vector<16xi32>
      tpu.vector_store_idx %arg15[%add3A_22, %add3A_700], %gather3A_694 : memref<512x128xf32, #tpu.memory_space<vmem>>[vector<16xi32>, vector<16xi32>], vector<16xf32>,
      %add3A_701 = arith.constant 1 : i32
      %add3A_702 = vector.broadcast %add3A_701 : i32 to vector<16xi32>
      %add3A_703 = arith.addi %mul3A_690, %add3A_702 : vector<16xi32>
      %gather3A_704 = tpu.vector_load_idx %arg13[%add3A_703] : memref<960xf32, #tpu.memory_space<vmem>>[vector<16xi32>], vector<16xf32>,
      %mul3A_705 = arith.constant 0 : i32
      %mul3A_706 = vector.broadcast %mul3A_705 : i32 to vector<16xi32>
      %mul3A_707 = arith.muli %iota3A, %mul3A_706 : vector<16xi32>
      %add3A_708 = arith.constant 65 : i32
      %add3A_709 = vector.broadcast %add3A_708 : i32 to vector<16xi32>
      %add3A_710 = arith.addi %mul3A_707, %add3A_709 : vector<16xi32>
      tpu.vector_store_idx %arg15[%add3A_22, %add3A_710], %gather3A_704 : memref<512x128xf32, #tpu.memory_space<vmem>>[vector<16xi32>, vector<16xi32>], vector<16xf32>,
      %add3A_711 = arith.constant 2 : i32
      %add3A_712 = vector.broadcast %add3A_711 : i32 to vector<16xi32>
      %add3A_713 = arith.addi %mul3A_690, %add3A_712 : vector<16xi32>
      %gather3A_714 = tpu.vector_load_idx %arg13[%add3A_713] : memref<960xf32, #tpu.memory_space<vmem>>[vector<16xi32>], vector<16xf32>,
      %mul3A_715 = arith.constant 0 : i32
      %mul3A_716 = vector.broadcast %mul3A_715 : i32 to vector<16xi32>
      %mul3A_717 = arith.muli %iota3A, %mul3A_716 : vector<16xi32>
      %add3A_718 = arith.constant 66 : i32
      %add3A_719 = vector.broadcast %add3A_718 : i32 to vector<16xi32>
      %add3A_720 = arith.addi %mul3A_717, %add3A_719 : vector<16xi32>
      tpu.vector_store_idx %arg15[%add3A_22, %add3A_720], %gather3A_714 : memref<512x128xf32, #tpu.memory_space<vmem>>[vector<16xi32>, vector<16xi32>], vector<16xf32>,
      %add3A_721 = arith.constant 3 : i32
      %add3A_722 = vector.broadcast %add3A_721 : i32 to vector<16xi32>
      %add3A_723 = arith.addi %mul3A_690, %add3A_722 : vector<16xi32>
      %gather3A_724 = tpu.vector_load_idx %arg13[%add3A_723] : memref<960xf32, #tpu.memory_space<vmem>>[vector<16xi32>], vector<16xf32>,
      %mul3A_725 = arith.constant 0 : i32
      %mul3A_726 = vector.broadcast %mul3A_725 : i32 to vector<16xi32>
      %mul3A_727 = arith.muli %iota3A, %mul3A_726 : vector<16xi32>
      %add3A_728 = arith.constant 67 : i32
      %add3A_729 = vector.broadcast %add3A_728 : i32 to vector<16xi32>
      %add3A_730 = arith.addi %mul3A_727, %add3A_729 : vector<16xi32>
      tpu.vector_store_idx %arg15[%add3A_22, %add3A_730], %gather3A_724 : memref<512x128xf32, #tpu.memory_space<vmem>>[vector<16xi32>, vector<16xi32>], vector<16xf32>,
      %add3A_731 = arith.constant 4 : i32
      %add3A_732 = vector.broadcast %add3A_731 : i32 to vector<16xi32>
      %add3A_733 = arith.addi %mul3A_690, %add3A_732 : vector<16xi32>
      %gather3A_734 = tpu.vector_load_idx %arg13[%add3A_733] : memref<960xf32, #tpu.memory_space<vmem>>[vector<16xi32>], vector<16xf32>,
      %mul3A_735 = arith.constant 0 : i32
      %mul3A_736 = vector.broadcast %mul3A_735 : i32 to vector<16xi32>
      %mul3A_737 = arith.muli %iota3A, %mul3A_736 : vector<16xi32>
      %add3A_738 = arith.constant 68 : i32
      %add3A_739 = vector.broadcast %add3A_738 : i32 to vector<16xi32>
      %add3A_740 = arith.addi %mul3A_737, %add3A_739 : vector<16xi32>
      tpu.vector_store_idx %arg15[%add3A_22, %add3A_740], %gather3A_734 : memref<512x128xf32, #tpu.memory_space<vmem>>[vector<16xi32>, vector<16xi32>], vector<16xf32>,
      %add3A_741 = arith.constant 5 : i32
      %add3A_742 = vector.broadcast %add3A_741 : i32 to vector<16xi32>
      %add3A_743 = arith.addi %mul3A_690, %add3A_742 : vector<16xi32>
      %gather3A_744 = tpu.vector_load_idx %arg13[%add3A_743] : memref<960xf32, #tpu.memory_space<vmem>>[vector<16xi32>], vector<16xf32>,
      %mul3A_745 = arith.constant 0 : i32
      %mul3A_746 = vector.broadcast %mul3A_745 : i32 to vector<16xi32>
      %mul3A_747 = arith.muli %iota3A, %mul3A_746 : vector<16xi32>
      %add3A_748 = arith.constant 69 : i32
      %add3A_749 = vector.broadcast %add3A_748 : i32 to vector<16xi32>
      %add3A_750 = arith.addi %mul3A_747, %add3A_749 : vector<16xi32>
      tpu.vector_store_idx %arg15[%add3A_22, %add3A_750], %gather3A_744 : memref<512x128xf32, #tpu.memory_space<vmem>>[vector<16xi32>, vector<16xi32>], vector<16xf32>,
      %add3A_751 = arith.constant 6 : i32
      %add3A_752 = vector.broadcast %add3A_751 : i32 to vector<16xi32>
      %add3A_753 = arith.addi %mul3A_690, %add3A_752 : vector<16xi32>
      %gather3A_754 = tpu.vector_load_idx %arg13[%add3A_753] : memref<960xf32, #tpu.memory_space<vmem>>[vector<16xi32>], vector<16xf32>,
      %mul3A_755 = arith.constant 0 : i32
      %mul3A_756 = vector.broadcast %mul3A_755 : i32 to vector<16xi32>
      %mul3A_757 = arith.muli %iota3A, %mul3A_756 : vector<16xi32>
      %add3A_758 = arith.constant 70 : i32
      %add3A_759 = vector.broadcast %add3A_758 : i32 to vector<16xi32>
      %add3A_760 = arith.addi %mul3A_757, %add3A_759 : vector<16xi32>
      tpu.vector_store_idx %arg15[%add3A_22, %add3A_760], %gather3A_754 : memref<512x128xf32, #tpu.memory_space<vmem>>[vector<16xi32>, vector<16xi32>], vector<16xf32>,
      %add3A_761 = arith.constant 7 : i32
      %add3A_762 = vector.broadcast %add3A_761 : i32 to vector<16xi32>
      %add3A_763 = arith.addi %mul3A_690, %add3A_762 : vector<16xi32>
      %gather3A_764 = tpu.vector_load_idx %arg13[%add3A_763] : memref<960xf32, #tpu.memory_space<vmem>>[vector<16xi32>], vector<16xf32>,
      %mul3A_765 = arith.constant 0 : i32
      %mul3A_766 = vector.broadcast %mul3A_765 : i32 to vector<16xi32>
      %mul3A_767 = arith.muli %iota3A, %mul3A_766 : vector<16xi32>
      %add3A_768 = arith.constant 71 : i32
      %add3A_769 = vector.broadcast %add3A_768 : i32 to vector<16xi32>
      %add3A_770 = arith.addi %mul3A_767, %add3A_769 : vector<16xi32>
      tpu.vector_store_idx %arg15[%add3A_22, %add3A_770], %gather3A_764 : memref<512x128xf32, #tpu.memory_space<vmem>>[vector<16xi32>, vector<16xi32>], vector<16xf32>,
      %add3A_771 = arith.constant 8 : i32
      %add3A_772 = vector.broadcast %add3A_771 : i32 to vector<16xi32>
      %add3A_773 = arith.addi %mul3A_690, %add3A_772 : vector<16xi32>
      %gather3A_774 = tpu.vector_load_idx %arg13[%add3A_773] : memref<960xf32, #tpu.memory_space<vmem>>[vector<16xi32>], vector<16xf32>,
      %mul3A_775 = arith.constant 0 : i32
      %mul3A_776 = vector.broadcast %mul3A_775 : i32 to vector<16xi32>
      %mul3A_777 = arith.muli %iota3A, %mul3A_776 : vector<16xi32>
      %add3A_778 = arith.constant 72 : i32
      %add3A_779 = vector.broadcast %add3A_778 : i32 to vector<16xi32>
      %add3A_780 = arith.addi %mul3A_777, %add3A_779 : vector<16xi32>
      tpu.vector_store_idx %arg15[%add3A_22, %add3A_780], %gather3A_774 : memref<512x128xf32, #tpu.memory_space<vmem>>[vector<16xi32>, vector<16xi32>], vector<16xf32>,
      %add3A_781 = arith.constant 9 : i32
      %add3A_782 = vector.broadcast %add3A_781 : i32 to vector<16xi32>
      %add3A_783 = arith.addi %mul3A_690, %add3A_782 : vector<16xi32>
      %gather3A_784 = tpu.vector_load_idx %arg13[%add3A_783] : memref<960xf32, #tpu.memory_space<vmem>>[vector<16xi32>], vector<16xf32>,
      %mul3A_785 = arith.constant 0 : i32
      %mul3A_786 = vector.broadcast %mul3A_785 : i32 to vector<16xi32>
      %mul3A_787 = arith.muli %iota3A, %mul3A_786 : vector<16xi32>
      %add3A_788 = arith.constant 73 : i32
      %add3A_789 = vector.broadcast %add3A_788 : i32 to vector<16xi32>
      %add3A_790 = arith.addi %mul3A_787, %add3A_789 : vector<16xi32>
      tpu.vector_store_idx %arg15[%add3A_22, %add3A_790], %gather3A_784 : memref<512x128xf32, #tpu.memory_space<vmem>>[vector<16xi32>, vector<16xi32>], vector<16xf32>,
      %add3A_791 = arith.constant 10 : i32
      %add3A_792 = vector.broadcast %add3A_791 : i32 to vector<16xi32>
      %add3A_793 = arith.addi %mul3A_690, %add3A_792 : vector<16xi32>
      %gather3A_794 = tpu.vector_load_idx %arg13[%add3A_793] : memref<960xf32, #tpu.memory_space<vmem>>[vector<16xi32>], vector<16xf32>,
      %mul3A_795 = arith.constant 0 : i32
      %mul3A_796 = vector.broadcast %mul3A_795 : i32 to vector<16xi32>
      %mul3A_797 = arith.muli %iota3A, %mul3A_796 : vector<16xi32>
      %add3A_798 = arith.constant 74 : i32
      %add3A_799 = vector.broadcast %add3A_798 : i32 to vector<16xi32>
      %add3A_800 = arith.addi %mul3A_797, %add3A_799 : vector<16xi32>
      tpu.vector_store_idx %arg15[%add3A_22, %add3A_800], %gather3A_794 : memref<512x128xf32, #tpu.memory_space<vmem>>[vector<16xi32>, vector<16xi32>], vector<16xf32>,
      %add3A_801 = arith.constant 11 : i32
      %add3A_802 = vector.broadcast %add3A_801 : i32 to vector<16xi32>
      %add3A_803 = arith.addi %mul3A_690, %add3A_802 : vector<16xi32>
      %gather3A_804 = tpu.vector_load_idx %arg13[%add3A_803] : memref<960xf32, #tpu.memory_space<vmem>>[vector<16xi32>], vector<16xf32>,
      %mul3A_805 = arith.constant 0 : i32
      %mul3A_806 = vector.broadcast %mul3A_805 : i32 to vector<16xi32>
      %mul3A_807 = arith.muli %iota3A, %mul3A_806 : vector<16xi32>
      %add3A_808 = arith.constant 75 : i32
      %add3A_809 = vector.broadcast %add3A_808 : i32 to vector<16xi32>
      %add3A_810 = arith.addi %mul3A_807, %add3A_809 : vector<16xi32>
      tpu.vector_store_idx %arg15[%add3A_22, %add3A_810], %gather3A_804 : memref<512x128xf32, #tpu.memory_space<vmem>>[vector<16xi32>, vector<16xi32>], vector<16xf32>,
      %add3A_811 = arith.constant 12 : i32
      %add3A_812 = vector.broadcast %add3A_811 : i32 to vector<16xi32>
      %add3A_813 = arith.addi %mul3A_690, %add3A_812 : vector<16xi32>
      %gather3A_814 = tpu.vector_load_idx %arg13[%add3A_813] : memref<960xf32, #tpu.memory_space<vmem>>[vector<16xi32>], vector<16xf32>,
      %mul3A_815 = arith.constant 0 : i32
      %mul3A_816 = vector.broadcast %mul3A_815 : i32 to vector<16xi32>
      %mul3A_817 = arith.muli %iota3A, %mul3A_816 : vector<16xi32>
      %add3A_818 = arith.constant 76 : i32
      %add3A_819 = vector.broadcast %add3A_818 : i32 to vector<16xi32>
      %add3A_820 = arith.addi %mul3A_817, %add3A_819 : vector<16xi32>
      tpu.vector_store_idx %arg15[%add3A_22, %add3A_820], %gather3A_814 : memref<512x128xf32, #tpu.memory_space<vmem>>[vector<16xi32>, vector<16xi32>], vector<16xf32>,
      %add3A_821 = arith.constant 13 : i32
      %add3A_822 = vector.broadcast %add3A_821 : i32 to vector<16xi32>
      %add3A_823 = arith.addi %mul3A_690, %add3A_822 : vector<16xi32>
      %gather3A_824 = tpu.vector_load_idx %arg13[%add3A_823] : memref<960xf32, #tpu.memory_space<vmem>>[vector<16xi32>], vector<16xf32>,
      %mul3A_825 = arith.constant 0 : i32
      %mul3A_826 = vector.broadcast %mul3A_825 : i32 to vector<16xi32>
      %mul3A_827 = arith.muli %iota3A, %mul3A_826 : vector<16xi32>
      %add3A_828 = arith.constant 77 : i32
      %add3A_829 = vector.broadcast %add3A_828 : i32 to vector<16xi32>
      %add3A_830 = arith.addi %mul3A_827, %add3A_829 : vector<16xi32>
      tpu.vector_store_idx %arg15[%add3A_22, %add3A_830], %gather3A_824 : memref<512x128xf32, #tpu.memory_space<vmem>>[vector<16xi32>, vector<16xi32>], vector<16xf32>,
      %add3A_831 = arith.constant 14 : i32
      %add3A_832 = vector.broadcast %add3A_831 : i32 to vector<16xi32>
      %add3A_833 = arith.addi %mul3A_690, %add3A_832 : vector<16xi32>
      %gather3A_834 = tpu.vector_load_idx %arg13[%add3A_833] : memref<960xf32, #tpu.memory_space<vmem>>[vector<16xi32>], vector<16xf32>,
      %mul3A_835 = arith.constant 0 : i32
      %mul3A_836 = vector.broadcast %mul3A_835 : i32 to vector<16xi32>
      %mul3A_837 = arith.muli %iota3A, %mul3A_836 : vector<16xi32>
      %add3A_838 = arith.constant 78 : i32
      %add3A_839 = vector.broadcast %add3A_838 : i32 to vector<16xi32>
      %add3A_840 = arith.addi %mul3A_837, %add3A_839 : vector<16xi32>
      tpu.vector_store_idx %arg15[%add3A_22, %add3A_840], %gather3A_834 : memref<512x128xf32, #tpu.memory_space<vmem>>[vector<16xi32>, vector<16xi32>], vector<16xf32>,
      %add3A_841 = arith.constant 15 : i32
      %add3A_842 = vector.broadcast %add3A_841 : i32 to vector<16xi32>
      %add3A_843 = arith.addi %mul3A_690, %add3A_842 : vector<16xi32>
      %gather3A_844 = tpu.vector_load_idx %arg13[%add3A_843] : memref<960xf32, #tpu.memory_space<vmem>>[vector<16xi32>], vector<16xf32>,
      %mul3A_845 = arith.constant 0 : i32
      %mul3A_846 = vector.broadcast %mul3A_845 : i32 to vector<16xi32>
      %mul3A_847 = arith.muli %iota3A, %mul3A_846 : vector<16xi32>
      %add3A_848 = arith.constant 79 : i32
      %add3A_849 = vector.broadcast %add3A_848 : i32 to vector<16xi32>
      %add3A_850 = arith.addi %mul3A_847, %add3A_849 : vector<16xi32>
      tpu.vector_store_idx %arg15[%add3A_22, %add3A_850], %gather3A_844 : memref<512x128xf32, #tpu.memory_space<vmem>>[vector<16xi32>, vector<16xi32>], vector<16xf32>,
      %add3A_851 = arith.constant 16 : i32
      %add3A_852 = vector.broadcast %add3A_851 : i32 to vector<16xi32>
      %add3A_853 = arith.addi %mul3A_690, %add3A_852 : vector<16xi32>
      %gather3A_854 = tpu.vector_load_idx %arg13[%add3A_853] : memref<960xf32, #tpu.memory_space<vmem>>[vector<16xi32>], vector<16xf32>,
      %mul3A_855 = arith.constant 0 : i32
      %mul3A_856 = vector.broadcast %mul3A_855 : i32 to vector<16xi32>
      %mul3A_857 = arith.muli %iota3A, %mul3A_856 : vector<16xi32>
      %add3A_858 = arith.constant 80 : i32
      %add3A_859 = vector.broadcast %add3A_858 : i32 to vector<16xi32>
      %add3A_860 = arith.addi %mul3A_857, %add3A_859 : vector<16xi32>
      tpu.vector_store_idx %arg15[%add3A_22, %add3A_860], %gather3A_854 : memref<512x128xf32, #tpu.memory_space<vmem>>[vector<16xi32>, vector<16xi32>], vector<16xf32>,
      %add3A_861 = arith.constant 17 : i32
      %add3A_862 = vector.broadcast %add3A_861 : i32 to vector<16xi32>
      %add3A_863 = arith.addi %mul3A_690, %add3A_862 : vector<16xi32>
      %gather3A_864 = tpu.vector_load_idx %arg13[%add3A_863] : memref<960xf32, #tpu.memory_space<vmem>>[vector<16xi32>], vector<16xf32>,
      %mul3A_865 = arith.constant 0 : i32
      %mul3A_866 = vector.broadcast %mul3A_865 : i32 to vector<16xi32>
      %mul3A_867 = arith.muli %iota3A, %mul3A_866 : vector<16xi32>
      %add3A_868 = arith.constant 81 : i32
      %add3A_869 = vector.broadcast %add3A_868 : i32 to vector<16xi32>
      %add3A_870 = arith.addi %mul3A_867, %add3A_869 : vector<16xi32>
      tpu.vector_store_idx %arg15[%add3A_22, %add3A_870], %gather3A_864 : memref<512x128xf32, #tpu.memory_space<vmem>>[vector<16xi32>, vector<16xi32>], vector<16xf32>,
      %add3A_871 = arith.constant 18 : i32
      %add3A_872 = vector.broadcast %add3A_871 : i32 to vector<16xi32>
      %add3A_873 = arith.addi %mul3A_690, %add3A_872 : vector<16xi32>
      %gather3A_874 = tpu.vector_load_idx %arg13[%add3A_873] : memref<960xf32, #tpu.memory_space<vmem>>[vector<16xi32>], vector<16xf32>,
      %mul3A_875 = arith.constant 0 : i32
      %mul3A_876 = vector.broadcast %mul3A_875 : i32 to vector<16xi32>
      %mul3A_877 = arith.muli %iota3A, %mul3A_876 : vector<16xi32>
      %add3A_878 = arith.constant 82 : i32
      %add3A_879 = vector.broadcast %add3A_878 : i32 to vector<16xi32>
      %add3A_880 = arith.addi %mul3A_877, %add3A_879 : vector<16xi32>
      tpu.vector_store_idx %arg15[%add3A_22, %add3A_880], %gather3A_874 : memref<512x128xf32, #tpu.memory_space<vmem>>[vector<16xi32>, vector<16xi32>], vector<16xf32>,
      %add3A_881 = arith.constant 19 : i32
      %add3A_882 = vector.broadcast %add3A_881 : i32 to vector<16xi32>
      %add3A_883 = arith.addi %mul3A_690, %add3A_882 : vector<16xi32>
      %gather3A_884 = tpu.vector_load_idx %arg13[%add3A_883] : memref<960xf32, #tpu.memory_space<vmem>>[vector<16xi32>], vector<16xf32>,
      %mul3A_885 = arith.constant 0 : i32
      %mul3A_886 = vector.broadcast %mul3A_885 : i32 to vector<16xi32>
      %mul3A_887 = arith.muli %iota3A, %mul3A_886 : vector<16xi32>
      %add3A_888 = arith.constant 83 : i32
      %add3A_889 = vector.broadcast %add3A_888 : i32 to vector<16xi32>
      %add3A_890 = arith.addi %mul3A_887, %add3A_889 : vector<16xi32>
      tpu.vector_store_idx %arg15[%add3A_22, %add3A_890], %gather3A_884 : memref<512x128xf32, #tpu.memory_space<vmem>>[vector<16xi32>, vector<16xi32>], vector<16xf32>,
      %add3A_891 = arith.constant 20 : i32
      %add3A_892 = vector.broadcast %add3A_891 : i32 to vector<16xi32>
      %add3A_893 = arith.addi %mul3A_690, %add3A_892 : vector<16xi32>
      %gather3A_894 = tpu.vector_load_idx %arg13[%add3A_893] : memref<960xf32, #tpu.memory_space<vmem>>[vector<16xi32>], vector<16xf32>,
      %mul3A_895 = arith.constant 0 : i32
      %mul3A_896 = vector.broadcast %mul3A_895 : i32 to vector<16xi32>
      %mul3A_897 = arith.muli %iota3A, %mul3A_896 : vector<16xi32>
      %add3A_898 = arith.constant 84 : i32
      %add3A_899 = vector.broadcast %add3A_898 : i32 to vector<16xi32>
      %add3A_900 = arith.addi %mul3A_897, %add3A_899 : vector<16xi32>
      tpu.vector_store_idx %arg15[%add3A_22, %add3A_900], %gather3A_894 : memref<512x128xf32, #tpu.memory_space<vmem>>[vector<16xi32>, vector<16xi32>], vector<16xf32>,
      %add3A_901 = arith.constant 21 : i32
      %add3A_902 = vector.broadcast %add3A_901 : i32 to vector<16xi32>
      %add3A_903 = arith.addi %mul3A_690, %add3A_902 : vector<16xi32>
      %gather3A_904 = tpu.vector_load_idx %arg13[%add3A_903] : memref<960xf32, #tpu.memory_space<vmem>>[vector<16xi32>], vector<16xf32>,
      %mul3A_905 = arith.constant 0 : i32
      %mul3A_906 = vector.broadcast %mul3A_905 : i32 to vector<16xi32>
      %mul3A_907 = arith.muli %iota3A, %mul3A_906 : vector<16xi32>
      %add3A_908 = arith.constant 85 : i32
      %add3A_909 = vector.broadcast %add3A_908 : i32 to vector<16xi32>
      %add3A_910 = arith.addi %mul3A_907, %add3A_909 : vector<16xi32>
      tpu.vector_store_idx %arg15[%add3A_22, %add3A_910], %gather3A_904 : memref<512x128xf32, #tpu.memory_space<vmem>>[vector<16xi32>, vector<16xi32>], vector<16xf32>,
      %add3A_911 = arith.constant 22 : i32
      %add3A_912 = vector.broadcast %add3A_911 : i32 to vector<16xi32>
      %add3A_913 = arith.addi %mul3A_690, %add3A_912 : vector<16xi32>
      %gather3A_914 = tpu.vector_load_idx %arg13[%add3A_913] : memref<960xf32, #tpu.memory_space<vmem>>[vector<16xi32>], vector<16xf32>,
      %mul3A_915 = arith.constant 0 : i32
      %mul3A_916 = vector.broadcast %mul3A_915 : i32 to vector<16xi32>
      %mul3A_917 = arith.muli %iota3A, %mul3A_916 : vector<16xi32>
      %add3A_918 = arith.constant 86 : i32
      %add3A_919 = vector.broadcast %add3A_918 : i32 to vector<16xi32>
      %add3A_920 = arith.addi %mul3A_917, %add3A_919 : vector<16xi32>
      tpu.vector_store_idx %arg15[%add3A_22, %add3A_920], %gather3A_914 : memref<512x128xf32, #tpu.memory_space<vmem>>[vector<16xi32>, vector<16xi32>], vector<16xf32>,
      %add3A_921 = arith.constant 23 : i32
      %add3A_922 = vector.broadcast %add3A_921 : i32 to vector<16xi32>
      %add3A_923 = arith.addi %mul3A_690, %add3A_922 : vector<16xi32>
      %gather3A_924 = tpu.vector_load_idx %arg13[%add3A_923] : memref<960xf32, #tpu.memory_space<vmem>>[vector<16xi32>], vector<16xf32>,
      %mul3A_925 = arith.constant 0 : i32
      %mul3A_926 = vector.broadcast %mul3A_925 : i32 to vector<16xi32>
      %mul3A_927 = arith.muli %iota3A, %mul3A_926 : vector<16xi32>
      %add3A_928 = arith.constant 87 : i32
      %add3A_929 = vector.broadcast %add3A_928 : i32 to vector<16xi32>
      %add3A_930 = arith.addi %mul3A_927, %add3A_929 : vector<16xi32>
      tpu.vector_store_idx %arg15[%add3A_22, %add3A_930], %gather3A_924 : memref<512x128xf32, #tpu.memory_space<vmem>>[vector<16xi32>, vector<16xi32>], vector<16xf32>,
      %add3A_931 = arith.constant 24 : i32
      %add3A_932 = vector.broadcast %add3A_931 : i32 to vector<16xi32>
      %add3A_933 = arith.addi %mul3A_690, %add3A_932 : vector<16xi32>
      %gather3A_934 = tpu.vector_load_idx %arg13[%add3A_933] : memref<960xf32, #tpu.memory_space<vmem>>[vector<16xi32>], vector<16xf32>,
      %mul3A_935 = arith.constant 0 : i32
      %mul3A_936 = vector.broadcast %mul3A_935 : i32 to vector<16xi32>
      %mul3A_937 = arith.muli %iota3A, %mul3A_936 : vector<16xi32>
      %add3A_938 = arith.constant 88 : i32
      %add3A_939 = vector.broadcast %add3A_938 : i32 to vector<16xi32>
      %add3A_940 = arith.addi %mul3A_937, %add3A_939 : vector<16xi32>
      tpu.vector_store_idx %arg15[%add3A_22, %add3A_940], %gather3A_934 : memref<512x128xf32, #tpu.memory_space<vmem>>[vector<16xi32>, vector<16xi32>], vector<16xf32>,
      %add3A_941 = arith.constant 25 : i32
      %add3A_942 = vector.broadcast %add3A_941 : i32 to vector<16xi32>
      %add3A_943 = arith.addi %mul3A_690, %add3A_942 : vector<16xi32>
      %gather3A_944 = tpu.vector_load_idx %arg13[%add3A_943] : memref<960xf32, #tpu.memory_space<vmem>>[vector<16xi32>], vector<16xf32>,
      %mul3A_945 = arith.constant 0 : i32
      %mul3A_946 = vector.broadcast %mul3A_945 : i32 to vector<16xi32>
      %mul3A_947 = arith.muli %iota3A, %mul3A_946 : vector<16xi32>
      %add3A_948 = arith.constant 89 : i32
      %add3A_949 = vector.broadcast %add3A_948 : i32 to vector<16xi32>
      %add3A_950 = arith.addi %mul3A_947, %add3A_949 : vector<16xi32>
      tpu.vector_store_idx %arg15[%add3A_22, %add3A_950], %gather3A_944 : memref<512x128xf32, #tpu.memory_space<vmem>>[vector<16xi32>, vector<16xi32>], vector<16xf32>,
      %add3A_951 = arith.constant 26 : i32
      %add3A_952 = vector.broadcast %add3A_951 : i32 to vector<16xi32>
      %add3A_953 = arith.addi %mul3A_690, %add3A_952 : vector<16xi32>
      %gather3A_954 = tpu.vector_load_idx %arg13[%add3A_953] : memref<960xf32, #tpu.memory_space<vmem>>[vector<16xi32>], vector<16xf32>,
      %mul3A_955 = arith.constant 0 : i32
      %mul3A_956 = vector.broadcast %mul3A_955 : i32 to vector<16xi32>
      %mul3A_957 = arith.muli %iota3A, %mul3A_956 : vector<16xi32>
      %add3A_958 = arith.constant 90 : i32
      %add3A_959 = vector.broadcast %add3A_958 : i32 to vector<16xi32>
      %add3A_960 = arith.addi %mul3A_957, %add3A_959 : vector<16xi32>
      tpu.vector_store_idx %arg15[%add3A_22, %add3A_960], %gather3A_954 : memref<512x128xf32, #tpu.memory_space<vmem>>[vector<16xi32>, vector<16xi32>], vector<16xf32>,
      %add3A_961 = arith.constant 27 : i32
      %add3A_962 = vector.broadcast %add3A_961 : i32 to vector<16xi32>
      %add3A_963 = arith.addi %mul3A_690, %add3A_962 : vector<16xi32>
      %gather3A_964 = tpu.vector_load_idx %arg13[%add3A_963] : memref<960xf32, #tpu.memory_space<vmem>>[vector<16xi32>], vector<16xf32>,
      %mul3A_965 = arith.constant 0 : i32
      %mul3A_966 = vector.broadcast %mul3A_965 : i32 to vector<16xi32>
      %mul3A_967 = arith.muli %iota3A, %mul3A_966 : vector<16xi32>
      %add3A_968 = arith.constant 91 : i32
      %add3A_969 = vector.broadcast %add3A_968 : i32 to vector<16xi32>
      %add3A_970 = arith.addi %mul3A_967, %add3A_969 : vector<16xi32>
      tpu.vector_store_idx %arg15[%add3A_22, %add3A_970], %gather3A_964 : memref<512x128xf32, #tpu.memory_space<vmem>>[vector<16xi32>, vector<16xi32>], vector<16xf32>,
      %add3A_971 = arith.constant 28 : i32
      %add3A_972 = vector.broadcast %add3A_971 : i32 to vector<16xi32>
      %add3A_973 = arith.addi %mul3A_690, %add3A_972 : vector<16xi32>
      %gather3A_974 = tpu.vector_load_idx %arg13[%add3A_973] : memref<960xf32, #tpu.memory_space<vmem>>[vector<16xi32>], vector<16xf32>,
      %mul3A_975 = arith.constant 0 : i32
      %mul3A_976 = vector.broadcast %mul3A_975 : i32 to vector<16xi32>
      %mul3A_977 = arith.muli %iota3A, %mul3A_976 : vector<16xi32>
      %add3A_978 = arith.constant 92 : i32
      %add3A_979 = vector.broadcast %add3A_978 : i32 to vector<16xi32>
      %add3A_980 = arith.addi %mul3A_977, %add3A_979 : vector<16xi32>
      tpu.vector_store_idx %arg15[%add3A_22, %add3A_980], %gather3A_974 : memref<512x128xf32, #tpu.memory_space<vmem>>[vector<16xi32>, vector<16xi32>], vector<16xf32>,
      %add3A_981 = arith.constant 29 : i32
      %add3A_982 = vector.broadcast %add3A_981 : i32 to vector<16xi32>
      %add3A_983 = arith.addi %mul3A_690, %add3A_982 : vector<16xi32>
      %gather3A_984 = tpu.vector_load_idx %arg13[%add3A_983] : memref<960xf32, #tpu.memory_space<vmem>>[vector<16xi32>], vector<16xf32>,
      %mul3A_985 = arith.constant 0 : i32
      %mul3A_986 = vector.broadcast %mul3A_985 : i32 to vector<16xi32>
      %mul3A_987 = arith.muli %iota3A, %mul3A_986 : vector<16xi32>
      %add3A_988 = arith.constant 93 : i32
      %add3A_989 = vector.broadcast %add3A_988 : i32 to vector<16xi32>
      %add3A_990 = arith.addi %mul3A_987, %add3A_989 : vector<16xi32>
      tpu.vector_store_idx %arg15[%add3A_22, %add3A_990], %gather3A_984 : memref<512x128xf32, #tpu.memory_space<vmem>>[vector<16xi32>, vector<16xi32>], vector<16xf32>,
      %add3A_991 = arith.constant 30 : i32
      %add3A_992 = vector.broadcast %add3A_991 : i32 to vector<16xi32>
      %add3A_993 = arith.addi %mul3A_690, %add3A_992 : vector<16xi32>
      %gather3A_994 = tpu.vector_load_idx %arg13[%add3A_993] : memref<960xf32, #tpu.memory_space<vmem>>[vector<16xi32>], vector<16xf32>,
      %mul3A_995 = arith.constant 0 : i32
      %mul3A_996 = vector.broadcast %mul3A_995 : i32 to vector<16xi32>
      %mul3A_997 = arith.muli %iota3A, %mul3A_996 : vector<16xi32>
      %add3A_998 = arith.constant 94 : i32
      %add3A_999 = vector.broadcast %add3A_998 : i32 to vector<16xi32>
      %add3A_1000 = arith.addi %mul3A_997, %add3A_999 : vector<16xi32>
      tpu.vector_store_idx %arg15[%add3A_22, %add3A_1000], %gather3A_994 : memref<512x128xf32, #tpu.memory_space<vmem>>[vector<16xi32>, vector<16xi32>], vector<16xf32>,
      %add3A_1001 = arith.constant 31 : i32
      %add3A_1002 = vector.broadcast %add3A_1001 : i32 to vector<16xi32>
      %add3A_1003 = arith.addi %mul3A_690, %add3A_1002 : vector<16xi32>
      %gather3A_1004 = tpu.vector_load_idx %arg13[%add3A_1003] : memref<960xf32, #tpu.memory_space<vmem>>[vector<16xi32>], vector<16xf32>,
      %mul3A_1005 = arith.constant 0 : i32
      %mul3A_1006 = vector.broadcast %mul3A_1005 : i32 to vector<16xi32>
      %mul3A_1007 = arith.muli %iota3A, %mul3A_1006 : vector<16xi32>
      %add3A_1008 = arith.constant 95 : i32
      %add3A_1009 = vector.broadcast %add3A_1008 : i32 to vector<16xi32>
      %add3A_1010 = arith.addi %mul3A_1007, %add3A_1009 : vector<16xi32>
      tpu.vector_store_idx %arg15[%add3A_22, %add3A_1010], %gather3A_1004 : memref<512x128xf32, #tpu.memory_space<vmem>>[vector<16xi32>, vector<16xi32>], vector<16xf32>,
    }
    %scan3A_9 = arith.constant 32 : i32
    %dma_wait3A = arith.constant 0 : i32
    %dma_wait3A_10 = arith.constant 0 : i32
    %dma_wait3A_11 = tpu.memref_slice %arg7[%dma_wait3A, %dma_wait3A_10] : memref<1000000x32xf32, #tpu.memory_space<hbm>> -> memref<1000000x32xf32, #tpu.memory_space<hbm>>
    tpu.wait_indirect_dma semaphore(%arg16 : memref<!tpu.dma_semaphore, #tpu.memory_space<semaphore_mem>>) src(%dma_wait3A_11 : memref<1000000x32xf32, #tpu.memory_space<hbm>>) dst(%arg14 : memref<512x32xf32, #tpu.memory_space<vmem>>)
    %scan3A_12 = arith.constant 0 : i32
    %scan3A_13 = arith.constant 0 : i32
    %scan3A_14 = arith.constant 512 : i32
    %scan3A_15 = arith.addi %scan3A_13, %scan3A_14 : i32
    %scan3A_16 = arith.constant 1 : i32
    scf.for %scan3A_18 = %scan3A_13 to %scan3A_15 step %scan3A_16  : i32 {
      %get3A = arith.index_cast %scan3A_18 : i32 to index
      %get3A_19 = arith.constant 0 : index
      %get3A_20 = tpu.vector_load %arg14[%get3A, %get3A_19] {strides = array<i32>} : memref<512x32xf32, #tpu.memory_space<vmem>>, vector<16xf32>,
      %swap3A = arith.index_cast %scan3A_18 : i32 to index
      %swap3A_21 = arith.constant 96 : index
      %swap3A_22 = tpu.vector_load %arg15[%swap3A, %swap3A_21] {strides = array<i32>} : memref<512x128xf32, #tpu.memory_space<vmem>>, vector<16xf32>,
      tpu.vector_store %arg15[%swap3A, %swap3A_21], %get3A_20 {strides = array<i32>} : memref<512x128xf32, #tpu.memory_space<vmem>>, vector<16xf32>,
      %get3A_23 = arith.index_cast %scan3A_18 : i32 to index
      %get3A_24 = arith.constant 16 : index
      %get3A_25 = tpu.vector_load %arg14[%get3A_23, %get3A_24] {strides = array<i32>} : memref<512x32xf32, #tpu.memory_space<vmem>>, vector<16xf32>,
      %swap3A_26 = arith.index_cast %scan3A_18 : i32 to index
      %swap3A_27 = arith.constant 112 : index
      %swap3A_28 = tpu.vector_load %arg15[%swap3A_26, %swap3A_27] {strides = array<i32>} : memref<512x128xf32, #tpu.memory_space<vmem>>, vector<16xf32>,
      tpu.vector_store %arg15[%swap3A_26, %swap3A_27], %get3A_25 {strides = array<i32>} : memref<512x128xf32, #tpu.memory_space<vmem>>, vector<16xf32>,
    }
    %scan3A_17 = arith.constant 512 : i32
    "tpu.region"() ({
      %run_scoped3A = tpu.sem_alloc : memref<!tpu.dma_semaphore, #tpu.memory_space<semaphore_mem>>
      %dma_start3A_18 = arith.constant 0 : i32
      %dma_start3A_19 = tpu.memref_slice %arg8[%mul3A_2, %dma_start3A_18] : memref<16384x128xf32, #tpu.memory_space<hbm>> -> memref<512x128xf32, #tpu.memory_space<hbm>>
      %dma_start3A_20 = arith.constant 0 : i32
      %dma_start3A_21 = tpu.memref_slice %arg8[%mul3A_2, %dma_start3A_20] : memref<16384x128xf32, #tpu.memory_space<hbm>> -> memref<512x128xf32, #tpu.memory_space<hbm>>
      tpu.enqueue_dma source(%arg15 : memref<512x128xf32, #tpu.memory_space<vmem>>) target(%dma_start3A_21 : memref<512x128xf32, #tpu.memory_space<hbm>>) target_semaphore(%run_scoped3A : memref<!tpu.dma_semaphore, #tpu.memory_space<semaphore_mem>>)
      %dma_wait3A_22 = arith.constant 0 : i32
      %dma_wait3A_23 = tpu.memref_slice %arg8[%mul3A_2, %dma_wait3A_22] : memref<16384x128xf32, #tpu.memory_space<hbm>> -> memref<512x128xf32, #tpu.memory_space<hbm>>
      %dma_wait3A_24 = arith.constant 0 : i32
      %dma_wait3A_25 = tpu.memref_slice %arg8[%mul3A_2, %dma_wait3A_24] : memref<16384x128xf32, #tpu.memory_space<hbm>> -> memref<512x128xf32, #tpu.memory_space<hbm>>
      tpu.wait_dma2 semaphore(%run_scoped3A : memref<!tpu.dma_semaphore, #tpu.memory_space<semaphore_mem>>) src(%arg15 : memref<512x128xf32, #tpu.memory_space<vmem>>) dst(%dma_wait3A_25 : memref<512x128xf32, #tpu.memory_space<hbm>>)
      tpu.yield
    }) : () -> ()
    return
  }
}

</mosaic_0001>

<sc_bundles>
// kernel: _embed.3.cloned.1.call-start
scs
__scs_entry_jumppad:
0x0: {  	(pc) =	sbr.rel $0x88, $3  }
0x1: {  	(tag) =	ssettag $0x0;
	lr =	simm.s32 $0x1  }
0x2: {  	[smem:$0x3F9B] =	sst lr;
	_ =	strace $0xD0000000  }
0x3: {  	_ = 	snop  }
0x4: {  	_ = 	snop  }
0x5: {  	_ = 	snop  }
0x6: {  	_ = 	snop  }
0x7: {  	_ = 	snop  }
__scs_overlays_trampoline_lowered:
0x8: {  	[smem:$0x3FAA] =	sst s0  }
0x9: {  	[smem:$0x3FAB] =	sst s1  }
0xa: {  	[smem:$0x3FAC] =	sst s2  }
0xb: {  	[smem:$0x3FAD] =	sst s3  }
0xc: {  	[smem:$0x3FAE] =	sst s4  }
0xd: {  	[smem:$0x3FAF] =	sst s5  }
0xe: {  	[smem:$0x3FB0] =	sst s6  }
0xf: {  	[smem:$0x3FB1] =	sst s7  }
0x10: {  	[smem:$0x3FB2] =	sst s8  }
0x11: {  	[smem:$0x3FB3] =	sst s9;
	s0 =	simm.s32 @!p0 $0x0  }
0x12: {  	s1 =	sld [smem:$0x3F99];
	s0 =	simm.s32 @p0 $0x1  }
0x13: {  	[smem:$0x3FB4] =	sst s0;
	s0 =	simm.s32 @!p1 $0x0  }
0x14: {  	s2 =	sld [smem:$0x3F98];
	s0 =	simm.s32 @p1 $0x1  }
0x15: {  	[smem:$0x3FB5] =	sst s0;
	s0 =	simm.s32 @!p2 $0x0  }
0x16: {  	s3 =	sld [smem:$0x3FDB];
	s0 =	simm.s32 @p2 $0x1  }
0x17: {  	s4 =	simm.s32 $0x1BF5;
	[smem:$0x3FB7] =	sst s0  }
0x18: {  	s0 =	sld [smem:$0x3F9A];
	_ =	swait.ge [sflag:s4], $0x0  }
0x19: {  	s7 =	sld [smem:$0x3F9B]  }
0x1a: {  	s8 =	sadd.s32 $0xFFFFE003, lr  }
0x1b: {  	s9 =	sadd.s32 $0xFFFFFEF7, lr;
	s5 =	simm.s32 $0xFFFFFFFF;
	p2 =	slt.u32 s8, $0xFFFFF086  }
0x1c: {  	p1 =	slt.u32 s9, $0xF7A;
	s5 =	simm.s32 @!p2 $0x0  }
0x1d: {  	s5 =	simm.s32 @p1 $0x1;
	p0 =	seq.s32 s7, s2  }
0x1e: {  	s7 =	smul.u32 @!p0 $0xF7A, s2;
	p2 =	seq.s32 @!p0 s5, $0x0  }
0x1f: {  	s9 =	smul.u32 $0xF7A, s1;
	s8 =	simm.s32 @!p0 $0x1BF5;
	p2 =	por !p2, p0  }
0x20: {  	[sflag:s8] =	ssyncset.s32 @!p0 $0xFFFFF086;
	s6 =	sadd.s32 @!p0 s3, s7;
	s7 =	simm.s32 @!p0 $0x108  }
0x21: {  	s3 =	sadd.s32 s3, s9;
	s6 =	sadd.s32 @!p0 $0x88, s6;
	s7 =	simm.s32 @p2 $0x1082  }
0x22: {  	[simem:s7], [sflag:s8] =	dma.local @!p0 [hbm:s6], $0xF7A  }
0x23: {  	s9 =	sor.u32 $0xD0000000, s2;
	s6 =	simm.s32 $0x108;
	_ =	swait.ge @!p0 [sflag:s8], $0x0  }
0x24: {  	s3 =	sadd.s32 $0x88, s3;
	s6 =	simm.s32 @!p1 $0x1082;
	[sflag:s4] =	ssyncset.s32 $0xFFFFF086  }
0x25: {  	[simem:s6], [sflag:s4] =	dma.local [hbm:s3], $0xF7A  }
0x26: {  	[smem:$0x3F9B] =	sst s1;
	(tag) =	ssettag s2;
	_ =	strace s9  }
0x27: {  	s1 =	sld [smem:$0x3FAB]  }
0x28: {  	s2 =	sld [smem:$0x3FAC]  }
0x29: {  	s4 =	sld [smem:$0x3FAE]  }
0x2a: {  	p0 =	seq.s32 s5, $0x0;
	s5 =	sld [smem:$0x3FAF]  }
0x2b: {  	s6 =	sld [smem:$0x3FB0]  }
0x2c: {  	s7 =	sld [smem:$0x3FB1]  }
0x2d: {  	s3 =	simm.s32 $0x108;
	s8 =	sld [smem:$0x3FB2]  }
0x2e: {  	s3 =	simm.s32 @!p0 $0x1082;
	s9 =	sld [smem:$0x3FB3]  }
0x2f: {  	lr =	sadd.s32 s0, s3;
	s0 =	sld [smem:$0x3FAA]  }
0x30: {  	s3 =	sld [smem:$0x3FAD]  }
0x31: {  	[smem:$0x3FB6] =	sst s10  }
0x32: {  	s10 =	sld [smem:$0x3FB4];
	_ =	sdelay $0x3  }
0x33: {  	p0 =	seq.s32 s10, $0x1;
	s10 =	sld [smem:$0x3FB6];
	_ =	sdelay $0x3  }
0x34: {  	[smem:$0x3FB6] =	sst s10  }
0x35: {  	s10 =	sld [smem:$0x3FB5];
	_ =	sdelay $0x3  }
0x36: {  	p1 =	seq.s32 s10, $0x1;
	s10 =	sld [smem:$0x3FB6];
	_ =	sdelay $0x3  }
0x37: {  	[smem:$0x3FB6] =	sst s10  }
0x38: {  	s10 =	sld [smem:$0x3FB7]  }
0x39: {  	_ = 	snop;
	(pc) =	sbr.ind lr, $3  }
0x3a: {  	_ = 	snop  }
0x3b: {  	_ = 	snop  }
0x3c: {  	p2 =	seq.s32 s10, $0x1;
	s10 =	sld [smem:$0x3FB6]  }
0x3d: {  	_ =	shalt  }
0x3e: {  	_ =	shalt  }
0x3f: {  	_ =	shalt  }
0x40: {  	_ =	shalt  }
0x41: {  	_ =	shalt  }
0x42: {  	_ =	shalt  }
0x43: {  	_ =	shalt  }
0x44: {  	_ =	shalt  }
0x45: {  	_ =	shalt  }
0x46: {  	_ =	shalt  }
0x47: {  	_ =	shalt  }
0x48: {  	_ =	shalt  }
0x49: {  	_ =	shalt  }
0x4a: {  	_ =	shalt  }
0x4b: {  	_ =	shalt  }
0x4c: {  	_ =	shalt  }
0x4d: {  	_ =	shalt  }
0x4e: {  	_ =	shalt  }
0x4f: {  	_ =	shalt  }
0x50: {  	_ =	shalt  }
0x51: {  	_ =	shalt  }
0x52: {  	_ =	shalt  }
0x53: {  	_ =	shalt  }
0x54: {  	_ =	shalt  }
0x55: {  	_ =	shalt  }
0x56: {  	_ =	shalt  }
0x57: {  	_ =	shalt  }
0x58: {  	_ =	shalt  }
0x59: {  	_ =	shalt  }
0x5a: {  	_ =	shalt  }
0x5b: {  	_ =	shalt  }
0x5c: {  	_ =	shalt  }
0x5d: {  	_ =	shalt  }
0x5e: {  	_ =	shalt  }
0x5f: {  	_ =	shalt  }
0x60: {  	_ =	shalt  }
0x61: {  	_ =	shalt  }
0x62: {  	_ =	shalt  }
0x63: {  	_ =	shalt  }
0x64: {  	_ =	shalt  }
0x65: {  	_ =	shalt  }
0x66: {  	_ =	shalt  }
0x67: {  	_ =	shalt  }
0x68: {  	_ =	shalt  }
0x69: {  	_ =	shalt  }
0x6a: {  	_ =	shalt  }
0x6b: {  	_ =	shalt  }
0x6c: {  	_ =	shalt  }
0x6d: {  	_ =	shalt  }
0x6e: {  	_ =	shalt  }
0x6f: {  	_ =	shalt  }
0x70: {  	_ =	shalt  }
0x71: {  	_ =	shalt  }
0x72: {  	_ =	shalt  }
0x73: {  	_ =	shalt  }
0x74: {  	_ =	shalt  }
0x75: {  	_ =	shalt  }
0x76: {  	_ =	shalt  }
0x77: {  	_ =	shalt  }
0x78: {  	_ =	shalt  }
0x79: {  	_ =	shalt  }
0x7a: {  	_ =	shalt  }
0x7b: {  	_ =	shalt  }
0x7c: {  	_ =	shalt  }
0x7d: {  	_ =	shalt  }
0x7e: {  	_ =	shalt  }
0x7f: {  	_ =	shalt  }
0x80: {  	_ =	shalt  }
0x81: {  	_ =	shalt  }
0x82: {  	_ =	shalt  }
0x83: {  	_ =	shalt  }
0x84: {  	_ =	shalt  }
0x85: {  	_ =	shalt  }
0x86: {  	_ =	shalt  }
0x87: {  	_ =	shalt  }
.Lfunc_end0:
.L_simem_size_0:
called_computation_lowered:
.L_overlay_start_0:
0x88: {  	s2 =	sld [smem:$0x3FD9]  }
0x89: {  	s3 =	sld [smem:$0x3FFE];
	_ =	sdelay $0x1  }
0x8a: {  	s1 =	srdreg.scid  }
0x8b: {  	s0 =	sand.u32 $0x1, s1  }
0x8c: {  	s17 =	sshll.u32 s0, $0xA;
	s2 =	sadd.s32 s3, s2  }
0x8d: {  	s2 =	sadd.s32 s2, s17  }
0x8e: {  	[smem:$0x3FC2] =	sst s2  }
0x8f: {  	_ = 	snop  }
0x90: {  	s2 =	sld [smem:$0x3FC9]  }
0x91: {  	s18 =	sld [smem:$0x3FC8]  }
0x92: {  	s4 =	sld [smem:$0x3FC7]  }
0x93: {  	s5 =	sld [smem:$0x3FC6]  }
0x94: {  	s6 =	sld [smem:$0x3FC5]  }
0x95: {  	s7 =	sld [smem:$0x3FD0];
	(tm) =	ssettm $0x1  }
0x96: {  	s8 =	sld [smem:$0x3FFB];
	_ =	sdelay $0x3  }
0x97: {  	_ =	strace s8  }
0x98: {  	s8 =	sld [smem:$0x3FFC];
	_ =	sdelay $0x3  }
0x99: {  	_ =	strace s8  }
0x9a: {  	s8 =	sld [smem:$0x3FFD];
	_ =	sdelay $0x3  }
0x9b: {  	_ =	strace s8  }
0x9c: {  	_ =	strace $0x8FFFFFFF  }
0x9d: {  	s19 =	sld [smem:$0x3FDB];
	_ =	sdelay $0x1  }
0x9e: {  	s9 =	simm.s32 $_scs_section_size  }
0x9f: {  	s10 =	simm.s32 $_size__tile_overlayer_lowered;
	s11 =	simm.s32 $_tile_overlayer_lowered  }
0xa0: {  	s22 =	simm.s32 $0x1BFF;
	s21 =	sshll.u32 s11, $0x1;
	s8 =	sadd.s32 s9, s19  }
0xa1: {  	s12 =	simm.s32 $0x0;
	s20 =	sshll.u32 s10, $0x1;
	s10 =	sadd.s32 s21, s8  }
0xa2: {  	[timem:s12], [sflag:s22] =	dma.local [hbm:s10], s20  }
0xa3: {  	_ =	swait.ge [sflag:s22], s20  }
0xa4: {  	s9 =	ssub.s32 $0x0, s20;
	[sflag:s22] =	ssyncset.done $0x0  }
0xa5: {  	[sflag:s22] =	ssyncadd.s32 s9;
	_ =	sdelay $0x1  }
0xa6: {  	s23 =	simm.s32 $0x1B8B  }
0xa7: {  	_ =	swait.ge [sflag:s23], $0x1  }
0xa8: {  	[sflag:s23] =	ssyncset.done $0x0  }
0xa9: {  	s25 =	simm.s32 $0x1B8E;
	s24 =	sld [smem:$0x3FFE];
	[sflag:s23] =	ssyncadd.s32 $0xFFFFFFFF  }
0xaa: {  	s26 =	simm.s32 $execute0_lowered;
	[smem:$0x3FD2] =	sst s25  }
0xab: {  	s10 =	sshll.u32 s26, $0x1;
	_ =	strace $0x80000046;
	[dreg:$0x1] =	wrdreg $0xFFFFFFFF  }
0xac: {  	s28 =	simm.s32 $_size_execute0_lowered;
	s8 =	sadd.s32 s8, s10;
	[dreg:$0x0] =	wrdreg $0x0  }
0xad: {  	s10 =	sshll.u32 s28, $0x1;
	[dreg:$0x2] =	wrdreg s8  }
0xae: {  	[dreg:$0x3] =	wrdreg s10  }
0xaf: {  	[dreg:$0x4] =	wrdreg $0xC0  }
0xb0: {  	_ =	task [dreg:s12], $0x5FFFF  }
0xb1: {  	[dreg:$0x1] =	wrdreg $0xFFFFFFFF  }
0xb2: {  	[dreg:$0x0] =	wrdreg $0x60  }
0xb3: {  	[dreg:$0x2] =	wrdreg s2  }
0xb4: {  	[dreg:$0x3] =	wrdreg s18  }
0xb5: {  	[dreg:$0x4] =	wrdreg s4  }
0xb6: {  	[dreg:$0x5] =	wrdreg s5  }
0xb7: {  	[dreg:$0x6] =	wrdreg s6  }
0xb8: {  	[dreg:$0x7] =	wrdreg s24  }
0xb9: {  	[dreg:$0x8] =	wrdreg s7  }
0xba: {  	[dreg:$0x9] =	wrdreg $0x9  }
0xbb: {  	_ =	task.clear_ibuf [dreg:s12], $0xAFFFF;
	_ =	strace $0x90000046  }
0xbc: {  	s29 =	simm.s32 $0x9;
	_ =	strace $0x80000048  }
0xbd: {  	_ =	swait.ge [sflag:s29], $0x1  }
0xbe: {  	[sflag:s29] =	ssyncadd.s32 $0xFFFFFFFF  }
0xbf: {  	_ =	strace $0x90000048  }
0xc0: {  	_ =	sfence  }
0xc1: {  	s30 =	sld [smem:$0x0];
	_ =	sdelay $0x2  }
0xc2: {  	s31 =	sshll.u32 s1, $0xD;
	s1 =	sshrl.u32 s1, $0x2  }
0xc3: {  	s3 =	sand.u32 $0x4000, s31;
	s1 =	sadd.s32 s1, s30  }
0xc4: {  	s0 =	sor.u32 s3, s0;
	s1 =	sshll.u32 s1, $0x11  }
0xc5: {  	s0 =	sor.u32 s1, s0  }
0xc6: {  	s0 =	sadd.s32 $0x8F2B, s0  }
0xc7: {  	[sflag:s0] =	ssyncadd.remote.s32 $0x1  }
0xc8: {  	_ =	sfence.sel $0xFFFF  }
0xc9: {  	[dreg:$0x0] =	wrdreg $0xFFFFFFFF;
	(pc) =	sbr.abs _section_cstart, $3  }
0xca: {  	[dreg:$0x1] =	wrdreg $0xFFFFFFFF  }
0xcb: {  	_ =	task.clear_ibuf [dreg:s12], $0x2FFFF;
	_ =	strace $0x9FFFFFFF  }
0xcc: {  	(tm) =	ssettm $0x7FFFFFFF  }
0xcd: {  	_ =	shalt  }
tec
execute0_lowered:
.L_overlay_start_1:
0x0: {  	(tag) =	ssettag $0x1  }
0x1: {  	s5 =	rddreg [dreg:$0x0]  }
0x2: {  	s6 =	rddreg [dreg:$0x1]  }
0x3: {  	s7 =	rddreg [dreg:$0x2]  }
0x4: {  	s8 =	rddreg [dreg:$0x3]  }
0x5: {  	s1 =	rddreg [dreg:$0x4]  }
0x6: {  	s4 =	rddreg [dreg:$0x5]  }
0x7: {  	s9 =	rddreg [dreg:$0x6]  }
0x8: {  	s0 =	rddreg [dreg:$0x7];
	s10 =	srdreg.scid  }
0x9: {  	s3 =	simm.s32 $0x0;
	s2 =	stileid.u32;
	s14 =	simm.s32 $0xBC0  }
0xa: {  	s15 =	simm.s32 $0x4BC0;
	s16 =	simm.s32 $0x1;
	s17 =	simm.s32 $0x0  }
0xb: {  	s10 =	sand.u32 $0x1, s10;
	[smem:$0x7FF] =	sst s3;
	s11 =	sshll.u32 s2, $0xA  }
0xc: {  	s4 =	sadd.s32 $0xF42800, s4;
	s12 =	sshll.u32 s10, $0x9;
	s10 =	ssub.s32 $0x2, s10  }
0xd: {  	_ =	strace $0x80000047;
	s11 =	sor.u32 s12, s11;
	s31 =	sshrl.u32 s10, $0x1  }
0xe: {  	s12 =	simm.s32 $0x600;
	s13 =	sshrl.u32 s11, $0x3;
	s10 =	ssub.s32 s10, s31  }
0xf: {  	s11 =	sshll.u32 s11, $0x4;
	s5 =	sadd.s32 s5, s13;
	s6 =	sadd.s32 s6, s13  }
0x10: {  	v0 =	vlaneseq.u32;
	s7 =	sadd.s32 s7, s13;
	s8 =	sadd.s32 s8, s13;
	s9 =	sadd.s32 s9, s11  }
0x11: {  	v0 =	vmul.u32 $0x80, v0;
	s10 =	smax.u32 s10, $0x1;
	s11 =	simm.s32 $0x2;
	s13 =	simm.s32 $0x800  }
.LBB2_1:
0x12: {  	[tilespmem:s3], [sflag:$0x2] =	stream.linear.gather [hbm4b:s5+s3], $0x200, $0x38;
	[tilespmem:$0x14BC0] =	vst v63  }
0x13: {  	_ =	swait.ge [sflag:s11], $0x200  }
0x14: {  	[sflag:s11] =	ssyncset.done $0x0  }
0x15: {  	s18 =	simm.s32 $0x200;
	[sflag:s11] =	ssyncadd.s32 $0xFFFFFE00  }
0x16: {  	[tilespmem:s18], [sflag:$0x2] =	stream.linear.gather [hbm4b:s6+s3], $0x200, $0x38;
	[tilespmem:$0x14BC0] =	vst v63  }
0x17: {  	_ =	swait.ge [sflag:s11], $0x200  }
0x18: {  	[sflag:s11] =	ssyncset.done $0x0  }
0x19: {  	s19 =	simm.s32 $0x400;
	[sflag:s11] =	ssyncadd.s32 $0xFFFFFE00  }
0x1a: {  	[tilespmem:s19], [sflag:$0x2] =	stream.linear.gather [hbm4b:s7+s3], $0x200, $0x38;
	[tilespmem:$0x14BC0] =	vst v63  }
0x1b: {  	_ =	swait.ge [sflag:s11], $0x200  }
0x1c: {  	[sflag:s11] =	ssyncset.done $0x0  }
0x1d: {  	[sflag:s11] =	ssyncadd.s32 $0xFFFFFE00  }
0x1e: {  	[tilespmem:s12], [sflag:$0x2] =	stream.linear.gather [hbm4b:s8+s3], $0x200, $0x38;
	[tilespmem:$0x14BC0] =	vst v63  }
0x1f: {  	_ =	swait.ge [sflag:s11], $0x200  }
0x20: {  	[sflag:s11] =	ssyncset.done $0x0  }
0x21: {  	[sflag:s11] =	ssyncadd.s32 $0xFFFFFE00  }
0x22: {  	[tilespmem:s13], [sflag:$0x2] =	stream.linear.gather [hbm4b:s1+s3], $0x3C0, $0x38;
	[tilespmem:$0x14BC0] =	vst v63  }
0x23: {  	_ =	swait.ge [sflag:s11], $0x3C0  }
0x24: {  	[sflag:s11] =	ssyncset.done $0x0  }
0x25: {  	s20 =	simm.s32 $0x0;
	s21 =	simm.s32 $0x0;
	[sflag:s11] =	ssyncadd.s32 $0xFFFFFC40  }
0x26: {  	[tilespmem:s14], [sflag:$0x1] =	stream.indirect.gather [hbm4b:s4+s18], $0x20, s12, s18, $0xb8;
	[tilespmem:$0x14BC0] =	vst v63  }
.LBB2_2:
0x27: {  	v1 =	vld [tilespmem:s20+$0x0];
	_ =	sdelay $0x4  }
0x28: {  	v2 =	vshll.u32 v1, $0x5;
	_ =	sdelay $0x2  }
0x29: {  	v1 =	vmov s21  }
0x2a: {  	v1 =	vshll.u32 v1, $0x7  }
0x2b: {  	v1 =	vor.u32 v0, v1;
	v3 =	vld.idx.msk [tilespmem:v2+s13+$0x0], $0xffff  }
0x2c: {  	v4 =	vor.u32 $0x1, v2;
	_ =	sdelay $0x3  }
0x2d: {  	[tilespmem:v1+s15+$0x0] =	vst.idx.msk $0xffff, v3  }
0x2e: {  	v52 =	vor.u32 $0x1, v1;
	v3 =	vld.idx.msk [tilespmem:v4+s13+$0x0], $0xffff  }
0x2f: {  	v5 =	vor.u32 $0x2, v2;
	_ =	sdelay $0x3  }
0x30: {  	[tilespmem:v52+s15+$0x0] =	vst.idx.msk $0xffff, v3  }
0x31: {  	v53 =	vor.u32 $0x2, v1;
	v3 =	vld.idx.msk [tilespmem:v5+s13+$0x0], $0xffff  }
0x32: {  	v54 =	vor.u32 $0x3, v2;
	_ =	sdelay $0x3  }
0x33: {  	[tilespmem:v53+s15+$0x0] =	vst.idx.msk $0xffff, v3  }
0x34: {  	v55 =	vor.u32 $0x3, v1;
	v3 =	vld.idx.msk [tilespmem:v54+s13+$0x0], $0xffff  }
0x35: {  	v56 =	vor.u32 $0x4, v2;
	_ =	sdelay $0x3  }
0x36: {  	[tilespmem:v55+s15+$0x0] =	vst.idx.msk $0xffff, v3  }
0x37: {  	v57 =	vor.u32 $0x4, v1;
	v3 =	vld.idx.msk [tilespmem:v56+s13+$0x0], $0xffff  }
0x38: {  	v58 =	vor.u32 $0x5, v2;
	_ =	sdelay $0x3  }
0x39: {  	[tilespmem:v57+s15+$0x0] =	vst.idx.msk $0xffff, v3  }
0x3a: {  	v59 =	vor.u32 $0x5, v1;
	v3 =	vld.idx.msk [tilespmem:v58+s13+$0x0], $0xffff  }
0x3b: {  	v60 =	vor.u32 $0x6, v2;
	_ =	sdelay $0x3  }
0x3c: {  	[tilespmem:v59+s15+$0x0] =	vst.idx.msk $0xffff, v3  }
0x3d: {  	v61 =	vor.u32 $0x6, v1;
	v3 =	vld.idx.msk [tilespmem:v60+s13+$0x0], $0xffff  }
0x3e: {  	v62 =	vor.u32 $0x7, v2;
	_ =	sdelay $0x3  }
0x3f: {  	[tilespmem:v61+s15+$0x0] =	vst.idx.msk $0xffff, v3  }
0x40: {  	v63 =	vor.u32 $0x7, v1;
	v3 =	vld.idx.msk [tilespmem:v62+s13+$0x0], $0xffff  }
0x41: {  	v8 =	vor.u32 $0x8, v2;
	_ =	sdelay $0x3  }
0x42: {  	[tilespmem:v63+s15+$0x0] =	vst.idx.msk $0xffff, v3  }
0x43: {  	v9 =	vor.u32 $0x8, v1;
	v3 =	vld.idx.msk [tilespmem:v8+s13+$0x0], $0xffff  }
0x44: {  	v10 =	vor.u32 $0x9, v2;
	_ =	sdelay $0x3  }
0x45: {  	[tilespmem:v9+s15+$0x0] =	vst.idx.msk $0xffff, v3  }
0x46: {  	v11 =	vor.u32 $0x9, v1;
	v3 =	vld.idx.msk [tilespmem:v10+s13+$0x0], $0xffff  }
0x47: {  	v12 =	vor.u32 $0xA, v2;
	_ =	sdelay $0x3  }
0x48: {  	[tilespmem:v11+s15+$0x0] =	vst.idx.msk $0xffff, v3  }
0x49: {  	v13 =	vor.u32 $0xA, v1;
	v3 =	vld.idx.msk [tilespmem:v12+s13+$0x0], $0xffff  }
0x4a: {  	v14 =	vor.u32 $0xB, v2;
	_ =	sdelay $0x3  }
0x4b: {  	[tilespmem:v13+s15+$0x0] =	vst.idx.msk $0xffff, v3  }
0x4c: {  	v15 =	vor.u32 $0xB, v1;
	v3 =	vld.idx.msk [tilespmem:v14+s13+$0x0], $0xffff  }
0x4d: {  	v16 =	vor.u32 $0xC, v2;
	_ =	sdelay $0x3  }
0x4e: {  	[tilespmem:v15+s15+$0x0] =	vst.idx.msk $0xffff, v3  }
0x4f: {  	v17 =	vor.u32 $0xC, v1;
	v3 =	vld.idx.msk [tilespmem:v16+s13+$0x0], $0xffff  }
0x50: {  	v18 =	vor.u32 $0xD, v2;
	_ =	sdelay $0x3  }
0x51: {  	[tilespmem:v17+s15+$0x0] =	vst.idx.msk $0xffff, v3  }
0x52: {  	v19 =	vor.u32 $0xD, v1;
	v3 =	vld.idx.msk [tilespmem:v18+s13+$0x0], $0xffff  }
0x53: {  	v20 =	vor.u32 $0xE, v2;
	_ =	sdelay $0x3  }
0x54: {  	[tilespmem:v19+s15+$0x0] =	vst.idx.msk $0xffff, v3  }
0x55: {  	v21 =	vor.u32 $0xE, v1;
	v3 =	vld.idx.msk [tilespmem:v20+s13+$0x0], $0xffff  }
0x56: {  	v22 =	vor.u32 $0xF, v2;
	_ =	sdelay $0x3  }
0x57: {  	[tilespmem:v21+s15+$0x0] =	vst.idx.msk $0xffff, v3  }
0x58: {  	v23 =	vor.u32 $0xF, v1;
	v3 =	vld.idx.msk [tilespmem:v22+s13+$0x0], $0xffff  }
0x59: {  	v24 =	vor.u32 $0x10, v2;
	_ =	sdelay $0x3  }
0x5a: {  	[tilespmem:v23+s15+$0x0] =	vst.idx.msk $0xffff, v3  }
0x5b: {  	v25 =	vor.u32 $0x10, v1;
	v3 =	vld.idx.msk [tilespmem:v24+s13+$0x0], $0xffff  }
0x5c: {  	v26 =	vor.u32 $0x11, v2;
	_ =	sdelay $0x3  }
0x5d: {  	[tilespmem:v25+s15+$0x0] =	vst.idx.msk $0xffff, v3  }
0x5e: {  	v27 =	vor.u32 $0x11, v1;
	v3 =	vld.idx.msk [tilespmem:v26+s13+$0x0], $0xffff  }
0x5f: {  	v28 =	vor.u32 $0x12, v2;
	_ =	sdelay $0x3  }
0x60: {  	[tilespmem:v27+s15+$0x0] =	vst.idx.msk $0xffff, v3  }
0x61: {  	v29 =	vor.u32 $0x12, v1;
	v3 =	vld.idx.msk [tilespmem:v28+s13+$0x0], $0xffff  }
0x62: {  	v30 =	vor.u32 $0x13, v2;
	_ =	sdelay $0x3  }
0x63: {  	[tilespmem:v29+s15+$0x0] =	vst.idx.msk $0xffff, v3  }
0x64: {  	v31 =	vor.u32 $0x13, v1;
	v3 =	vld.idx.msk [tilespmem:v30+s13+$0x0], $0xffff  }
0x65: {  	v32 =	vor.u32 $0x14, v2;
	_ =	sdelay $0x3  }
0x66: {  	[tilespmem:v31+s15+$0x0] =	vst.idx.msk $0xffff, v3  }
0x67: {  	v33 =	vor.u32 $0x14, v1;
	v3 =	vld.idx.msk [tilespmem:v32+s13+$0x0], $0xffff  }
0x68: {  	v34 =	vor.u32 $0x15, v2;
	_ =	sdelay $0x3  }
0x69: {  	[tilespmem:v33+s15+$0x0] =	vst.idx.msk $0xffff, v3  }
0x6a: {  	v35 =	vor.u32 $0x15, v1;
	v3 =	vld.idx.msk [tilespmem:v34+s13+$0x0], $0xffff  }
0x6b: {  	v36 =	vor.u32 $0x16, v2;
	_ =	sdelay $0x3  }
0x6c: {  	[tilespmem:v35+s15+$0x0] =	vst.idx.msk $0xffff, v3  }
0x6d: {  	v37 =	vor.u32 $0x16, v1;
	v3 =	vld.idx.msk [tilespmem:v36+s13+$0x0], $0xffff  }
0x6e: {  	v38 =	vor.u32 $0x17, v2;
	_ =	sdelay $0x3  }
0x6f: {  	[tilespmem:v37+s15+$0x0] =	vst.idx.msk $0xffff, v3  }
0x70: {  	v39 =	vor.u32 $0x17, v1;
	v3 =	vld.idx.msk [tilespmem:v38+s13+$0x0], $0xffff  }
0x71: {  	v40 =	vor.u32 $0x18, v2;
	_ =	sdelay $0x3  }
0x72: {  	[tilespmem:v39+s15+$0x0] =	vst.idx.msk $0xffff, v3  }
0x73: {  	v41 =	vor.u32 $0x18, v1;
	v3 =	vld.idx.msk [tilespmem:v40+s13+$0x0], $0xffff  }
0x74: {  	v42 =	vor.u32 $0x19, v2;
	_ =	sdelay $0x3  }
0x75: {  	[tilespmem:v41+s15+$0x0] =	vst.idx.msk $0xffff, v3  }
0x76: {  	v43 =	vor.u32 $0x19, v1;
	v3 =	vld.idx.msk [tilespmem:v42+s13+$0x0], $0xffff  }
0x77: {  	v44 =	vor.u32 $0x1A, v2;
	_ =	sdelay $0x3  }
0x78: {  	[tilespmem:v43+s15+$0x0] =	vst.idx.msk $0xffff, v3  }
0x79: {  	v45 =	vor.u32 $0x1A, v1;
	v3 =	vld.idx.msk [tilespmem:v44+s13+$0x0], $0xffff  }
0x7a: {  	v46 =	vor.u32 $0x1B, v2;
	_ =	sdelay $0x3  }
0x7b: {  	[tilespmem:v45+s15+$0x0] =	vst.idx.msk $0xffff, v3  }
0x7c: {  	v47 =	vor.u32 $0x1B, v1;
	v3 =	vld.idx.msk [tilespmem:v46+s13+$0x0], $0xffff  }
0x7d: {  	v48 =	vor.u32 $0x1C, v2;
	_ =	sdelay $0x3  }
0x7e: {  	[tilespmem:v47+s15+$0x0] =	vst.idx.msk $0xffff, v3  }
0x7f: {  	v49 =	vor.u32 $0x1C, v1;
	v3 =	vld.idx.msk [tilespmem:v48+s13+$0x0], $0xffff  }
0x80: {  	v50 =	vor.u32 $0x1D, v2;
	_ =	sdelay $0x3  }
0x81: {  	[tilespmem:v49+s15+$0x0] =	vst.idx.msk $0xffff, v3  }
0x82: {  	v51 =	vor.u32 $0x1D, v1;
	v3 =	vld.idx.msk [tilespmem:v50+s13+$0x0], $0xffff  }
0x83: {  	v52 =	vor.u32 $0x1E, v2;
	_ =	sdelay $0x3  }
0x84: {  	[tilespmem:v51+s15+$0x0] =	vst.idx.msk $0xffff, v3  }
0x85: {  	v53 =	vor.u32 $0x1E, v1;
	v3 =	vld.idx.msk [tilespmem:v52+s13+$0x0], $0xffff  }
0x86: {  	v2 =	vor.u32 $0x1F, v2;
	_ =	sdelay $0x3  }
0x87: {  	[tilespmem:v53+s15+$0x0] =	vst.idx.msk $0xffff, v3  }
0x88: {  	v3 =	vor.u32 $0x1F, v1;
	v2 =	vld.idx.msk [tilespmem:v2+s13+$0x0], $0xffff;
	_ =	sdelay $0x4  }
0x89: {  	[tilespmem:v3+s15+$0x0] =	vst.idx.msk $0xffff, v2  }
0x8a: {  	v2 =	vld [tilespmem:s18+$0x0];
	_ =	sdelay $0x4  }
0x8b: {  	v2 =	vshll.u32 v2, $0x5  }
0x8c: {  	v3 =	vadd.s32 $0x40, v2;
	_ =	sdelay $0x4  }
0x8d: {  	v54 =	vor.u32 $0x20, v1;
	v3 =	vld.idx.msk [tilespmem:v3+s13+$0x0], $0xffff  }
0x8e: {  	v55 =	vadd.s32 $0x41, v2;
	_ =	sdelay $0x3  }
0x8f: {  	[tilespmem:v54+s15+$0x0] =	vst.idx.msk $0xffff, v3  }
0x90: {  	v56 =	vor.u32 $0x21, v1;
	v3 =	vld.idx.msk [tilespmem:v55+s13+$0x0], $0xffff  }
0x91: {  	v57 =	vadd.s32 $0x42, v2;
	_ =	sdelay $0x3  }
0x92: {  	[tilespmem:v56+s15+$0x0] =	vst.idx.msk $0xffff, v3  }
0x93: {  	v58 =	vor.u32 $0x22, v1;
	v3 =	vld.idx.msk [tilespmem:v57+s13+$0x0], $0xffff  }
0x94: {  	v59 =	vadd.s32 $0x43, v2;
	_ =	sdelay $0x3  }
0x95: {  	[tilespmem:v58+s15+$0x0] =	vst.idx.msk $0xffff, v3  }
0x96: {  	v60 =	vor.u32 $0x23, v1;
	v3 =	vld.idx.msk [tilespmem:v59+s13+$0x0], $0xffff  }
0x97: {  	v61 =	vadd.s32 $0x44, v2;
	_ =	sdelay $0x3  }
0x98: {  	[tilespmem:v60+s15+$0x0] =	vst.idx.msk $0xffff, v3  }
0x99: {  	v62 =	vor.u32 $0x24, v1;
	v3 =	vld.idx.msk [tilespmem:v61+s13+$0x0], $0xffff  }
0x9a: {  	v63 =	vadd.s32 $0x45, v2;
	_ =	sdelay $0x3  }
0x9b: {  	[tilespmem:v62+s15+$0x0] =	vst.idx.msk $0xffff, v3  }
0x9c: {  	v8 =	vor.u32 $0x25, v1;
	v3 =	vld.idx.msk [tilespmem:v63+s13+$0x0], $0xffff  }
0x9d: {  	v9 =	vadd.s32 $0x46, v2;
	_ =	sdelay $0x3  }
0x9e: {  	[tilespmem:v8+s15+$0x0] =	vst.idx.msk $0xffff, v3  }
0x9f: {  	v10 =	vor.u32 $0x26, v1;
	v3 =	vld.idx.msk [tilespmem:v9+s13+$0x0], $0xffff  }
0xa0: {  	v11 =	vadd.s32 $0x47, v2;
	_ =	sdelay $0x3  }
0xa1: {  	[tilespmem:v10+s15+$0x0] =	vst.idx.msk $0xffff, v3  }
0xa2: {  	v12 =	vor.u32 $0x27, v1;
	v3 =	vld.idx.msk [tilespmem:v11+s13+$0x0], $0xffff  }
0xa3: {  	v13 =	vadd.s32 $0x48, v2;
	_ =	sdelay $0x3  }
0xa4: {  	[tilespmem:v12+s15+$0x0] =	vst.idx.msk $0xffff, v3  }
0xa5: {  	v14 =	vor.u32 $0x28, v1;
	v3 =	vld.idx.msk [tilespmem:v13+s13+$0x0], $0xffff  }
0xa6: {  	v15 =	vadd.s32 $0x49, v2;
	_ =	sdelay $0x3  }
0xa7: {  	[tilespmem:v14+s15+$0x0] =	vst.idx.msk $0xffff, v3  }
0xa8: {  	v16 =	vor.u32 $0x29, v1;
	v3 =	vld.idx.msk [tilespmem:v15+s13+$0x0], $0xffff  }
0xa9: {  	v17 =	vadd.s32 $0x4A, v2;
	_ =	sdelay $0x3  }
0xaa: {  	[tilespmem:v16+s15+$0x0] =	vst.idx.msk $0xffff, v3  }
0xab: {  	v18 =	vor.u32 $0x2A, v1;
	v3 =	vld.idx.msk [tilespmem:v17+s13+$0x0], $0xffff  }
0xac: {  	v19 =	vadd.s32 $0x4B, v2;
	_ =	sdelay $0x3  }
0xad: {  	[tilespmem:v18+s15+$0x0] =	vst.idx.msk $0xffff, v3  }
0xae: {  	v20 =	vor.u32 $0x2B, v1;
	v3 =	vld.idx.msk [tilespmem:v19+s13+$0x0], $0xffff  }
0xaf: {  	v21 =	vadd.s32 $0x4C, v2;
	_ =	sdelay $0x3  }
0xb0: {  	[tilespmem:v20+s15+$0x0] =	vst.idx.msk $0xffff, v3  }
0xb1: {  	v22 =	vor.u32 $0x2C, v1;
	v3 =	vld.idx.msk [tilespmem:v21+s13+$0x0], $0xffff  }
0xb2: {  	v23 =	vadd.s32 $0x4D, v2;
	_ =	sdelay $0x3  }
0xb3: {  	[tilespmem:v22+s15+$0x0] =	vst.idx.msk $0xffff, v3  }
0xb4: {  	v24 =	vor.u32 $0x2D, v1;
	v3 =	vld.idx.msk [tilespmem:v23+s13+$0x0], $0xffff  }
0xb5: {  	v25 =	vadd.s32 $0x4E, v2;
	_ =	sdelay $0x3  }
0xb6: {  	[tilespmem:v24+s15+$0x0] =	vst.idx.msk $0xffff, v3  }
0xb7: {  	v26 =	vor.u32 $0x2E, v1;
	v3 =	vld.idx.msk [tilespmem:v25+s13+$0x0], $0xffff  }
0xb8: {  	v27 =	vadd.s32 $0x4F, v2;
	_ =	sdelay $0x3  }
0xb9: {  	[tilespmem:v26+s15+$0x0] =	vst.idx.msk $0xffff, v3  }
0xba: {  	v28 =	vor.u32 $0x2F, v1;
	v3 =	vld.idx.msk [tilespmem:v27+s13+$0x0], $0xffff  }
0xbb: {  	v29 =	vadd.s32 $0x50, v2;
	_ =	sdelay $0x3  }
0xbc: {  	[tilespmem:v28+s15+$0x0] =	vst.idx.msk $0xffff, v3  }
0xbd: {  	v30 =	vor.u32 $0x30, v1;
	v3 =	vld.idx.msk [tilespmem:v29+s13+$0x0], $0xffff  }
0xbe: {  	v31 =	vadd.s32 $0x51, v2;
	_ =	sdelay $0x3  }
0xbf: {  	[tilespmem:v30+s15+$0x0] =	vst.idx.msk $0xffff, v3  }
0xc0: {  	v32 =	vor.u32 $0x31, v1;
	v3 =	vld.idx.msk [tilespmem:v31+s13+$0x0], $0xffff  }
0xc1: {  	v33 =	vadd.s32 $0x52, v2;
	_ =	sdelay $0x3  }
0xc2: {  	[tilespmem:v32+s15+$0x0] =	vst.idx.msk $0xffff, v3  }
0xc3: {  	v34 =	vor.u32 $0x32, v1;
	v3 =	vld.idx.msk [tilespmem:v33+s13+$0x0], $0xffff  }
0xc4: {  	v35 =	vadd.s32 $0x53, v2;
	_ =	sdelay $0x3  }
0xc5: {  	[tilespmem:v34+s15+$0x0] =	vst.idx.msk $0xffff, v3  }
0xc6: {  	v36 =	vor.u32 $0x33, v1;
	v3 =	vld.idx.msk [tilespmem:v35+s13+$0x0], $0xffff  }
0xc7: {  	v37 =	vadd.s32 $0x54, v2;
	_ =	sdelay $0x3  }
0xc8: {  	[tilespmem:v36+s15+$0x0] =	vst.idx.msk $0xffff, v3  }
0xc9: {  	v38 =	vor.u32 $0x34, v1;
	v3 =	vld.idx.msk [tilespmem:v37+s13+$0x0], $0xffff  }
0xca: {  	v39 =	vadd.s32 $0x55, v2;
	_ =	sdelay $0x3  }
0xcb: {  	[tilespmem:v38+s15+$0x0] =	vst.idx.msk $0xffff, v3  }
0xcc: {  	v40 =	vor.u32 $0x35, v1;
	v3 =	vld.idx.msk [tilespmem:v39+s13+$0x0], $0xffff  }
0xcd: {  	v41 =	vadd.s32 $0x56, v2;
	_ =	sdelay $0x3  }
0xce: {  	[tilespmem:v40+s15+$0x0] =	vst.idx.msk $0xffff, v3  }
0xcf: {  	v42 =	vor.u32 $0x36, v1;
	v3 =	vld.idx.msk [tilespmem:v41+s13+$0x0], $0xffff  }
0xd0: {  	v43 =	vadd.s32 $0x57, v2;
	_ =	sdelay $0x3  }
0xd1: {  	[tilespmem:v42+s15+$0x0] =	vst.idx.msk $0xffff, v3  }
0xd2: {  	v44 =	vor.u32 $0x37, v1;
	v3 =	vld.idx.msk [tilespmem:v43+s13+$0x0], $0xffff  }
0xd3: {  	v45 =	vadd.s32 $0x58, v2;
	_ =	sdelay $0x3  }
0xd4: {  	[tilespmem:v44+s15+$0x0] =	vst.idx.msk $0xffff, v3  }
0xd5: {  	v46 =	vor.u32 $0x38, v1;
	v3 =	vld.idx.msk [tilespmem:v45+s13+$0x0], $0xffff  }
0xd6: {  	v47 =	vadd.s32 $0x59, v2;
	_ =	sdelay $0x3  }
0xd7: {  	[tilespmem:v46+s15+$0x0] =	vst.idx.msk $0xffff, v3  }
0xd8: {  	v48 =	vor.u32 $0x39, v1;
	v3 =	vld.idx.msk [tilespmem:v47+s13+$0x0], $0xffff  }
0xd9: {  	v49 =	vadd.s32 $0x5A, v2;
	_ =	sdelay $0x3  }
0xda: {  	[tilespmem:v48+s15+$0x0] =	vst.idx.msk $0xffff, v3  }
0xdb: {  	v50 =	vor.u32 $0x3A, v1;
	v3 =	vld.idx.msk [tilespmem:v49+s13+$0x0], $0xffff  }
0xdc: {  	v51 =	vadd.s32 $0x5B, v2;
	_ =	sdelay $0x3  }
0xdd: {  	[tilespmem:v50+s15+$0x0] =	vst.idx.msk $0xffff, v3  }
0xde: {  	v52 =	vor.u32 $0x3B, v1;
	v3 =	vld.idx.msk [tilespmem:v51+s13+$0x0], $0xffff  }
0xdf: {  	v53 =	vadd.s32 $0x5C, v2;
	_ =	sdelay $0x3  }
0xe0: {  	[tilespmem:v52+s15+$0x0] =	vst.idx.msk $0xffff, v3  }
0xe1: {  	v54 =	vor.u32 $0x3C, v1;
	v3 =	vld.idx.msk [tilespmem:v53+s13+$0x0], $0xffff  }
0xe2: {  	v55 =	vadd.s32 $0x5D, v2;
	_ =	sdelay $0x3  }
0xe3: {  	[tilespmem:v54+s15+$0x0] =	vst.idx.msk $0xffff, v3  }
0xe4: {  	v56 =	vor.u32 $0x3D, v1;
	v3 =	vld.idx.msk [tilespmem:v55+s13+$0x0], $0xffff  }
0xe5: {  	v57 =	vadd.s32 $0x5E, v2;
	_ =	sdelay $0x3  }
0xe6: {  	[tilespmem:v56+s15+$0x0] =	vst.idx.msk $0xffff, v3  }
0xe7: {  	v58 =	vor.u32 $0x3E, v1;
	v3 =	vld.idx.msk [tilespmem:v57+s13+$0x0], $0xffff  }
0xe8: {  	v2 =	vadd.s32 $0x5F, v2;
	_ =	sdelay $0x3  }
0xe9: {  	[tilespmem:v58+s15+$0x0] =	vst.idx.msk $0xffff, v3  }
0xea: {  	v3 =	vor.u32 $0x3F, v1;
	v2 =	vld.idx.msk [tilespmem:v2+s13+$0x0], $0xffff;
	_ =	sdelay $0x4  }
0xeb: {  	[tilespmem:v3+s15+$0x0] =	vst.idx.msk $0xffff, v2  }
0xec: {  	v2 =	vld [tilespmem:s19+$0x0];
	_ =	sdelay $0x4  }
0xed: {  	v2 =	vshll.u32 v2, $0x5  }
0xee: {  	v3 =	vadd.s32 $0x120, v2;
	_ =	sdelay $0x4  }
0xef: {  	v59 =	vor.u32 $0x40, v1;
	v3 =	vld.idx.msk [tilespmem:v3+s13+$0x0], $0xffff  }
0xf0: {  	v60 =	vadd.s32 $0x121, v2;
	_ =	sdelay $0x3  }
0xf1: {  	[tilespmem:v59+s15+$0x0] =	vst.idx.msk $0xffff, v3  }
0xf2: {  	v61 =	vor.u32 $0x41, v1;
	v3 =	vld.idx.msk [tilespmem:v60+s13+$0x0], $0xffff  }
0xf3: {  	v62 =	vadd.s32 $0x122, v2;
	_ =	sdelay $0x3  }
0xf4: {  	[tilespmem:v61+s15+$0x0] =	vst.idx.msk $0xffff, v3  }
0xf5: {  	v63 =	vor.u32 $0x42, v1;
	v3 =	vld.idx.msk [tilespmem:v62+s13+$0x0], $0xffff  }
0xf6: {  	v8 =	vadd.s32 $0x123, v2;
	_ =	sdelay $0x3  }
0xf7: {  	[tilespmem:v63+s15+$0x0] =	vst.idx.msk $0xffff, v3  }
0xf8: {  	v9 =	vor.u32 $0x43, v1;
	v3 =	vld.idx.msk [tilespmem:v8+s13+$0x0], $0xffff  }
0xf9: {  	v10 =	vadd.s32 $0x124, v2;
	_ =	sdelay $0x3  }
0xfa: {  	[tilespmem:v9+s15+$0x0] =	vst.idx.msk $0xffff, v3  }
0xfb: {  	v11 =	vor.u32 $0x44, v1;
	v3 =	vld.idx.msk [tilespmem:v10+s13+$0x0], $0xffff  }
0xfc: {  	v12 =	vadd.s32 $0x125, v2;
	_ =	sdelay $0x3  }
0xfd: {  	[tilespmem:v11+s15+$0x0] =	vst.idx.msk $0xffff, v3  }
0xfe: {  	v13 =	vor.u32 $0x45, v1;
	v3 =	vld.idx.msk [tilespmem:v12+s13+$0x0], $0xffff  }
0xff: {  	v14 =	vadd.s32 $0x126, v2;
	_ =	sdelay $0x3  }
0x100: {  	[tilespmem:v13+s15+$0x0] =	vst.idx.msk $0xffff, v3  }
0x101: {  	v15 =	vor.u32 $0x46, v1;
	v3 =	vld.idx.msk [tilespmem:v14+s13+$0x0], $0xffff  }
0x102: {  	v16 =	vadd.s32 $0x127, v2;
	_ =	sdelay $0x3  }
0x103: {  	[tilespmem:v15+s15+$0x0] =	vst.idx.msk $0xffff, v3  }
0x104: {  	v17 =	vor.u32 $0x47, v1;
	v3 =	vld.idx.msk [tilespmem:v16+s13+$0x0], $0xffff  }
0x105: {  	v18 =	vadd.s32 $0x128, v2;
	_ =	sdelay $0x3  }
0x106: {  	[tilespmem:v17+s15+$0x0] =	vst.idx.msk $0xffff, v3  }
0x107: {  	v19 =	vor.u32 $0x48, v1;
	v3 =	vld.idx.msk [tilespmem:v18+s13+$0x0], $0xffff  }
0x108: {  	v20 =	vadd.s32 $0x129, v2;
	_ =	sdelay $0x3  }
0x109: {  	[tilespmem:v19+s15+$0x0] =	vst.idx.msk $0xffff, v3  }
0x10a: {  	v21 =	vor.u32 $0x49, v1;
	v3 =	vld.idx.msk [tilespmem:v20+s13+$0x0], $0xffff  }
0x10b: {  	v22 =	vadd.s32 $0x12A, v2;
	_ =	sdelay $0x3  }
0x10c: {  	[tilespmem:v21+s15+$0x0] =	vst.idx.msk $0xffff, v3  }
0x10d: {  	v23 =	vor.u32 $0x4A, v1;
	v3 =	vld.idx.msk [tilespmem:v22+s13+$0x0], $0xffff  }
0x10e: {  	v24 =	vadd.s32 $0x12B, v2;
	_ =	sdelay $0x3  }
0x10f: {  	[tilespmem:v23+s15+$0x0] =	vst.idx.msk $0xffff, v3  }
0x110: {  	v25 =	vor.u32 $0x4B, v1;
	v3 =	vld.idx.msk [tilespmem:v24+s13+$0x0], $0xffff  }
0x111: {  	v26 =	vadd.s32 $0x12C, v2;
	_ =	sdelay $0x3  }
0x112: {  	[tilespmem:v25+s15+$0x0] =	vst.idx.msk $0xffff, v3  }
0x113: {  	v27 =	vor.u32 $0x4C, v1;
	v3 =	vld.idx.msk [tilespmem:v26+s13+$0x0], $0xffff  }
0x114: {  	v28 =	vadd.s32 $0x12D, v2;
	_ =	sdelay $0x3  }
0x115: {  	[tilespmem:v27+s15+$0x0] =	vst.idx.msk $0xffff, v3  }
0x116: {  	v29 =	vor.u32 $0x4D, v1;
	v3 =	vld.idx.msk [tilespmem:v28+s13+$0x0], $0xffff  }
0x117: {  	v30 =	vadd.s32 $0x12E, v2;
	_ =	sdelay $0x3  }
0x118: {  	[tilespmem:v29+s15+$0x0] =	vst.idx.msk $0xffff, v3  }
0x119: {  	v31 =	vor.u32 $0x4E, v1;
	v3 =	vld.idx.msk [tilespmem:v30+s13+$0x0], $0xffff  }
0x11a: {  	v32 =	vadd.s32 $0x12F, v2;
	_ =	sdelay $0x3  }
0x11b: {  	[tilespmem:v31+s15+$0x0] =	vst.idx.msk $0xffff, v3  }
0x11c: {  	v33 =	vor.u32 $0x4F, v1;
	v3 =	vld.idx.msk [tilespmem:v32+s13+$0x0], $0xffff  }
0x11d: {  	v34 =	vadd.s32 $0x130, v2;
	_ =	sdelay $0x3  }
0x11e: {  	[tilespmem:v33+s15+$0x0] =	vst.idx.msk $0xffff, v3  }
0x11f: {  	v35 =	vor.u32 $0x50, v1;
	v3 =	vld.idx.msk [tilespmem:v34+s13+$0x0], $0xffff  }
0x120: {  	v36 =	vadd.s32 $0x131, v2;
	_ =	sdelay $0x3  }
0x121: {  	[tilespmem:v35+s15+$0x0] =	vst.idx.msk $0xffff, v3  }
0x122: {  	v37 =	vor.u32 $0x51, v1;
	v3 =	vld.idx.msk [tilespmem:v36+s13+$0x0], $0xffff  }
0x123: {  	v38 =	vadd.s32 $0x132, v2;
	_ =	sdelay $0x3  }
0x124: {  	[tilespmem:v37+s15+$0x0] =	vst.idx.msk $0xffff, v3  }
0x125: {  	v39 =	vor.u32 $0x52, v1;
	v3 =	vld.idx.msk [tilespmem:v38+s13+$0x0], $0xffff  }
0x126: {  	v40 =	vadd.s32 $0x133, v2;
	_ =	sdelay $0x3  }
0x127: {  	[tilespmem:v39+s15+$0x0] =	vst.idx.msk $0xffff, v3  }
0x128: {  	v41 =	vor.u32 $0x53, v1;
	v3 =	vld.idx.msk [tilespmem:v40+s13+$0x0], $0xffff  }
0x129: {  	v42 =	vadd.s32 $0x134, v2;
	_ =	sdelay $0x3  }
0x12a: {  	[tilespmem:v41+s15+$0x0] =	vst.idx.msk $0xffff, v3  }
0x12b: {  	v43 =	vor.u32 $0x54, v1;
	v3 =	vld.idx.msk [tilespmem:v42+s13+$0x0], $0xffff  }
0x12c: {  	v44 =	vadd.s32 $0x135, v2;
	_ =	sdelay $0x3  }
0x12d: {  	[tilespmem:v43+s15+$0x0] =	vst.idx.msk $0xffff, v3  }
0x12e: {  	v45 =	vor.u32 $0x55, v1;
	v3 =	vld.idx.msk [tilespmem:v44+s13+$0x0], $0xffff  }
0x12f: {  	v46 =	vadd.s32 $0x136, v2;
	_ =	sdelay $0x3  }
0x130: {  	[tilespmem:v45+s15+$0x0] =	vst.idx.msk $0xffff, v3  }
0x131: {  	v47 =	vor.u32 $0x56, v1;
	v3 =	vld.idx.msk [tilespmem:v46+s13+$0x0], $0xffff  }
0x132: {  	v48 =	vadd.s32 $0x137, v2;
	_ =	sdelay $0x3  }
0x133: {  	[tilespmem:v47+s15+$0x0] =	vst.idx.msk $0xffff, v3  }
0x134: {  	v49 =	vor.u32 $0x57, v1;
	v3 =	vld.idx.msk [tilespmem:v48+s13+$0x0], $0xffff  }
0x135: {  	v50 =	vadd.s32 $0x138, v2;
	_ =	sdelay $0x3  }
0x136: {  	[tilespmem:v49+s15+$0x0] =	vst.idx.msk $0xffff, v3  }
0x137: {  	v51 =	vor.u32 $0x58, v1;
	v3 =	vld.idx.msk [tilespmem:v50+s13+$0x0], $0xffff  }
0x138: {  	v52 =	vadd.s32 $0x139, v2;
	_ =	sdelay $0x3  }
0x139: {  	[tilespmem:v51+s15+$0x0] =	vst.idx.msk $0xffff, v3  }
0x13a: {  	v53 =	vor.u32 $0x59, v1;
	v3 =	vld.idx.msk [tilespmem:v52+s13+$0x0], $0xffff  }
0x13b: {  	v54 =	vadd.s32 $0x13A, v2;
	_ =	sdelay $0x3  }
0x13c: {  	[tilespmem:v53+s15+$0x0] =	vst.idx.msk $0xffff, v3  }
0x13d: {  	v55 =	vor.u32 $0x5A, v1;
	v3 =	vld.idx.msk [tilespmem:v54+s13+$0x0], $0xffff  }
0x13e: {  	v56 =	vadd.s32 $0x13B, v2;
	_ =	sdelay $0x3  }
0x13f: {  	[tilespmem:v55+s15+$0x0] =	vst.idx.msk $0xffff, v3  }
0x140: {  	v57 =	vor.u32 $0x5B, v1;
	v3 =	vld.idx.msk [tilespmem:v56+s13+$0x0], $0xffff  }
0x141: {  	v58 =	vadd.s32 $0x13C, v2;
	_ =	sdelay $0x3  }
0x142: {  	[tilespmem:v57+s15+$0x0] =	vst.idx.msk $0xffff, v3  }
0x143: {  	v59 =	vor.u32 $0x5C, v1;
	v3 =	vld.idx.msk [tilespmem:v58+s13+$0x0], $0xffff  }
0x144: {  	v60 =	vadd.s32 $0x13D, v2;
	_ =	sdelay $0x3  }
0x145: {  	[tilespmem:v59+s15+$0x0] =	vst.idx.msk $0xffff, v3  }
0x146: {  	v61 =	vor.u32 $0x5D, v1;
	v3 =	vld.idx.msk [tilespmem:v60+s13+$0x0], $0xffff  }
0x147: {  	v62 =	vadd.s32 $0x13E, v2;
	_ =	sdelay $0x3  }
0x148: {  	[tilespmem:v61+s15+$0x0] =	vst.idx.msk $0xffff, v3  }
0x149: {  	v63 =	vor.u32 $0x5E, v1;
	v3 =	vld.idx.msk [tilespmem:v62+s13+$0x0], $0xffff  }
0x14a: {  	v2 =	vadd.s32 $0x13F, v2;
	_ =	sdelay $0x3  }
0x14b: {  	[tilespmem:v63+s15+$0x0] =	vst.idx.msk $0xffff, v3  }
0x14c: {  	p0 =	sne.s32 s21, $0x1F0;
	v1 =	vor.u32 $0x5F, v1;
	v2 =	vld.idx.msk [tilespmem:v2+s13+$0x0], $0xffff  }
.Ltmp0:
0x14d: {  	_ = 	snop;
	(pc) =	sbr.rel @p0 .LBB2_2-.Ltmp0, $3  }
0x14e: {  	_ =	sdelay $0x1  }
0x14f: {  	s20 =	sadd.s32 $0x10, s20  }
0x150: {  	s21 =	sadd.s32 $0x10, s21;
	s18 =	sadd.s32 $0x10, s18;
	s19 =	sadd.s32 $0x10, s19;
	[tilespmem:v1+s15+$0x0] =	vst.idx.msk $0xffff, v2  }
0x151: {  	_ =	swait.ge [sflag:s16], $0x4000  }
0x152: {  	[sflag:s16] =	ssyncset.done $0x0  }
0x153: {  	s19 =	simm.s32 $0x0;
	[sflag:s16] =	ssyncadd.s32 $0xFFFFC000  }
0x154: {  	v1 =	vld [tilespmem:s19+$0xBC0];
	_ =	sdelay $0x3  }
0x155: {  	s18 =	simm.s32 $0x4C30  }
0x156: {  	[tilespmem:s18+$0xFFFFFFF0] =	vst v1  }
0x157: {  	v1 =	vld [tilespmem:s19+$0xBD0];
	_ =	sdelay $0x4  }
0x158: {  	s20 =	simm.s32 $0x20;
	s19 =	simm.s32 $0x100;
	[tilespmem:s18+$0x0] =	vst v1  }
.LBB2_4:
0x159: {  	p0 =	sne.s32 s19, $0xFF80;
	v1 =	vld [tilespmem:s20+$0xBC0];
	_ =	sdelay $0x3  }
0x15a: {  	s18 =	sadd.s32 $0x80, s18  }
0x15b: {  	[tilespmem:s18+$0xFFFFFFF0] =	vst v1  }
0x15c: {  	v1 =	vld [tilespmem:s20+$0xBD0]  }
.Ltmp1:
0x15d: {  	(pc) =	sbr.rel @p0 .LBB2_4-.Ltmp1, $2  }
0x15e: {  	_ =	sdelay $0x2  }
0x15f: {  	s20 =	sshra.s32 s19, $0x2;
	s19 =	sadd.s32 $0x80, s19;
	[tilespmem:s18+$0x0] =	vst v1  }
0x160: {  	v1 =	vld [tilespmem:s20+$0xBC0];
	_ =	sdelay $0x3  }
0x161: {  	s18 =	sadd.s32 $0x80, s18  }
0x162: {  	[tilespmem:s18+$0xFFFFFFF0] =	vst v1  }
0x163: {  	v1 =	vld [tilespmem:s20+$0xBD0];
	_ =	sdelay $0x2  }
0x164: {  	s17 =	sadd.s32 $0x1, s17  }
0x165: {  	p0 =	sne.s32 s17, s10  }
.Ltmp2:
0x166: {  	[tilespmem:s18+$0x0] =	vst v1;
	(pc) =	sbr.rel @p0 .LBB2_1-.Ltmp2, $4  }
0x167: {  	[hbm4b:s9+s3] =	stream.linear.scatter [tilespmem:s15], [sflag:$0x2], $0x10000, $0x38;
	[tilespmem:$0x14BC0] =	vst v63  }
0x168: {  	_ =	swait.ge [sflag:s11], $0x10000  }
0x169: {  	[sflag:s11] =	ssyncset.done $0x0  }
0x16a: {  	[sflag:s11] =	ssyncadd.s32 $0xFFFF0000  }
0x16b: {  	_ =	sfence.sel $0x180000  }
0x16c: {  	[bflag:$0x0] =	sbarrier.arrive $0xFFFF  }
0x16d: {  	p0 =	sne.s32 s2, $0x0;
	_ =	strace $0x90000047  }
0x16e: {  	s0 =	sadd.s32 @!p0 $0x100000, s0;
	[bflag:$0x2] =	sbarrier.arrive $0xFFFF  }
0x16f: {  	[sflag:s0] =	ssyncadd.tile.s32 @!p0 $0x1;
	_ =	shalt  }
.Lfunc_end2:
_tile_overlayer_lowered:
.L_overlay_start_2:
0x170: {  	(tag) =	ssettag $0x2  }
0x171: {  	s0 =	rddreg [dreg:$0x0];
	s2 =	stileid.u32  }
0x172: {  	s1 =	rddreg [dreg:$0x1];
	p0 =	sne.s32 s2, $0x0  }
0x173: {  	s3 =	rddreg [dreg:$0x2];
	[bflag:$0x3] =	sbarrier.arrive $0xFFFF;
	s2 =	simm.s32 @!p0 $0x1C02  }
0x174: {  	[timem:s3], [sflag:s2] =	dma.local @!p0 [hbm:s0], s1  }
0x175: {  	s0 =	simm.s32 @!p0 $0x2  }
0x176: {  	_ =	swait.ge @!p0 [sflag:s0], s1  }
0x177: {  	s1 =	ssub.s32 @!p0 $0x0, s1;
	[sflag:s0] =	ssyncset.done @!p0 $0x0  }
0x178: {  	[sflag:s0] =	ssyncadd.s32 @!p0 s1  }
0x179: {  	[bflag:$0x3] =	sbarrier.arrive $0xFFFF  }
0x17a: {  	_ =	shalt  }

</sc_bundles>
